<compile_context>
chip_gen: v7x
topology: tpu7x:2x2x1
jax: 0.10.2.dev20260603
libtpu: 0.0.44.dev20260713+nightly
codegen_flags: <defaults>
</compile_context>

<pallas_src>
import functools

import jax
import jax.numpy as jnp
from jax import lax
from jax.experimental import pallas as pl
from jax.experimental.pallas import tpu as pltpu
from jax.experimental.pallas import tpu_sc as plsc

_E = 8
_D = 1024
_F = 4096
_S = 2048
_TM = 128
_FT = 1024
_NF = _F // _FT
_NT = _S // _TM + _E
_NP = _NT * _TM
_TR = _S // 128


def _scores_body(x_ref, c_ref, o_ref):
    o_ref[...] = lax.dot_general(
        x_ref[...], c_ref[...], (((1,), (1,)), ((), ())),
        preferred_element_type=jnp.float32)


def _route_body(st_ref, slot_ref, te_ref, nt_ref, cb_ref, al_ref):
    s = [st_ref[e] for e in range(_E)]
    best = s[0]
    for e in range(1, _E):
        best = jnp.maximum(best, s[e])
    bi = jnp.full((_TR, 128), _E - 1, jnp.int32)
    for e in range(_E - 2, -1, -1):
        bi = jnp.where(s[e] == best, e, bi)
    al_ref[...] = 1.0 / (1.0 + jnp.exp(-best))

    r = lax.broadcasted_iota(jnp.int32, (128, 128), 0)
    c = lax.broadcasted_iota(jnp.int32, (128, 128), 1)
    upper = (r <= c).astype(jnp.float32)
    r16 = lax.broadcasted_iota(jnp.int32, (_TR, _TR), 0)
    c16 = lax.broadcasted_iota(jnp.int32, (_TR, _TR), 1)
    lower = (c16 < r16).astype(jnp.float32)

    iota_nt = lax.broadcasted_iota(jnp.int32, (1, _NT), 1)
    iota_e1 = lax.broadcasted_iota(jnp.int32, (1, _E + 1), 1)
    slot = jnp.zeros((_TR, 128), jnp.float32)
    te = jnp.zeros((1, _NT), jnp.int32)
    cb = jnp.zeros((1, _E + 1), jnp.int32)
    pad_off = jnp.zeros((1, 1), jnp.int32)
    cum_tiles = jnp.zeros((1, 1), jnp.int32)
    last_e = jnp.zeros((1, 1), jnp.int32)
    for e in range(_E):
        m = (bi == e).astype(jnp.float32)
        incl = lax.dot_general(m, upper, (((1,), (0,)), ((), ())),
                               preferred_element_type=jnp.float32)
        rowsum = jnp.sum(m, axis=1, keepdims=True)
        rowoff = lax.dot_general(lower, rowsum, (((1,), (0,)), ((), ())),
                                 preferred_element_type=jnp.float32)
        rank = incl - 1.0 + rowoff
        slot = slot + m * (pad_off.astype(jnp.float32) + rank)
        cnt = jnp.sum(m, axis=(0, 1), keepdims=True).astype(jnp.int32)
        ntile = (cnt + _TM - 1) // _TM
        last_e = jnp.where(cnt > 0, e, last_e)
        cum_tiles = cum_tiles + ntile
        te = te + (iota_nt >= cum_tiles).astype(jnp.int32)
        cb = cb + (iota_e1 == e + 1) * cum_tiles
        pad_off = pad_off + ntile * _TM
    te = jnp.where(iota_nt < cum_tiles, te, last_e)
    slot_ref[...] = slot.astype(jnp.int32)
    te_ref[...] = te
    nt_ref[...] = cum_tiles
    cb_ref[...] = cb


def _ln_body(te_ref, nt_ref, x_ref, g_ref, bb_ref, o_ref):
    u = pl.program_id(0)

    @pl.when(u < nt_ref[0])
    def _():
        x = x_ref[...]
        mu = jnp.mean(x, axis=1, keepdims=True)
        xc = x - mu
        var = jnp.mean(xc * xc, axis=1, keepdims=True)
        ln = xc * lax.rsqrt(var + 1e-5) * g_ref[0] + bb_ref[0]
        o_ref[...] = ln.astype(jnp.bfloat16)


def _ffn_body(cb_ref, w1_ref, b1_ref, w2_ref, b2_ref, lnb_ref, o_ref,
              w1b_ref, w2b_ref):
    f = pl.program_id(0)
    e = pl.program_id(1)
    w1b_ref[...] = w1_ref[0].astype(jnp.bfloat16)
    w2b_ref[...] = w2_ref[0].astype(jnp.bfloat16)

    def tile_body(t, carry):
        base = pl.multiple_of(t * _TM, _TM)
        sl = (pl.ds(base, _TM), slice(None))
        h1 = lax.dot_general(lnb_ref[sl], w1b_ref[...],
                             (((1,), (1,)), ((), ())),
                             preferred_element_type=jnp.float32)
        h1 = jnp.maximum(h1 + b1_ref[0, 0], 0.0).astype(jnp.bfloat16)
        h2 = lax.dot_general(h1, w2b_ref[...], (((1,), (1,)), ((), ())),
                             preferred_element_type=jnp.float32)

        @pl.when(f == 0)
        def _():
            o_ref[sl] = h2 + b2_ref[0]

        @pl.when(f > 0)
        def _():
            o_ref[sl] += h2

        return carry

    lax.fori_loop(cb_ref[e], cb_ref[e + 1], tile_body, 0)


def _resid_body(x_ref, g_ref, a_ref, o_ref):
    o_ref[...] = x_ref[...] + a_ref[...] * g_ref[...]


def _sc_mesh():
    return plsc.VectorSubcoreMesh(core_axis_name="core",
                                  subcore_axis_name="subcore")


_NW = 32
_BW = _S // _NW


def _dispatch(x, slot):
    @functools.partial(
        pl.kernel,
        out_type=jax.ShapeDtypeStruct((_NP, _D), jnp.float32),
        mesh=_sc_mesh(),
        scratch_types=[pltpu.VMEM((_BW,), jnp.int32),
                       pltpu.VMEM((_BW, _D), jnp.float32)])
    def kern(x_hbm, s_hbm, o_hbm, idx_v, rows_v):
        wid = lax.axis_index("subcore") * 2 + lax.axis_index("core")
        base = wid * _BW
        pltpu.sync_copy(s_hbm.at[pl.ds(base, _BW)], idx_v)
        pltpu.sync_copy(x_hbm.at[pl.ds(base, _BW)], rows_v)
        pltpu.sync_copy(rows_v, o_hbm.at[idx_v])

    return kern(x, slot)


def _combine(ffn_pad, slot):
    @functools.partial(
        pl.kernel,
        out_type=jax.ShapeDtypeStruct((_S, _D), jnp.float32),
        mesh=_sc_mesh(),
        scratch_types=[pltpu.VMEM((_BW,), jnp.int32),
                       pltpu.VMEM((_BW, _D), jnp.float32)])
    def kern(p_hbm, s_hbm, y_hbm, idx_v, rows_v):
        wid = lax.axis_index("subcore") * 2 + lax.axis_index("core")
        base = wid * _BW
        pltpu.sync_copy(s_hbm.at[pl.ds(base, _BW)], idx_v)
        pltpu.sync_copy(p_hbm.at[idx_v], rows_v)
        pltpu.sync_copy(rows_v, y_hbm.at[pl.ds(base, _BW)])

    return kern(ffn_pad, slot)


def _routing(x, expert_centroids):
    scores = pl.pallas_call(
        _scores_body,
        grid=(8,),
        in_specs=[pl.BlockSpec((_S // 8, _D), lambda i: (i, 0)),
                  pl.BlockSpec((_E, _D), lambda i: (0, 0))],
        out_specs=pl.BlockSpec((_S // 8, _E), lambda i: (i, 0)),
        out_shape=jax.ShapeDtypeStruct((_S, _E), jnp.float32),
    )(x, expert_centroids)
    st = scores.T.reshape(_E, _TR, 128)
    slot2d, te2d, nt2d, cb2d, al2d = pl.pallas_call(
        _route_body,
        out_shape=(
            jax.ShapeDtypeStruct((_TR, 128), jnp.int32),
            jax.ShapeDtypeStruct((1, _NT), jnp.int32),
            jax.ShapeDtypeStruct((1, 1), jnp.int32),
            jax.ShapeDtypeStruct((1, _E + 1), jnp.int32),
            jax.ShapeDtypeStruct((_TR, 128), jnp.float32),
        ),
    )(st)
    return (slot2d.reshape(_S), te2d.reshape(_NT), nt2d.reshape(1),
            cb2d.reshape(_E + 1), al2d.reshape(_S, 1))


def _ueff(u, nt):
    return jnp.minimum(u, nt[0] - 1)


def _ln(te, nt, x_pad, ln_g, ln_b):
    grid_spec = pltpu.PrefetchScalarGridSpec(
        num_scalar_prefetch=2,
        grid=(_NT,),
        in_specs=[
            pl.BlockSpec((_TM, _D), lambda u, te, nt: (_ueff(u, nt), 0)),
            pl.BlockSpec((1, 1, _D),
                         lambda u, te, nt: (te[_ueff(u, nt)], 0, 0)),
            pl.BlockSpec((1, 1, _D),
                         lambda u, te, nt: (te[_ueff(u, nt)], 0, 0)),
        ],
        out_specs=pl.BlockSpec((_TM, _D), lambda u, te, nt: (_ueff(u, nt), 0)),
    )
    return pl.pallas_call(
        _ln_body,
        grid_spec=grid_spec,
        out_shape=jax.ShapeDtypeStruct((_NP, _D), jnp.bfloat16),
    )(te, nt, x_pad, ln_g.reshape(_E, 1, _D), ln_b.reshape(_E, 1, _D))


def _ffn(cb, lnb, w1, b1, w2, b2):
    grid_spec = pltpu.PrefetchScalarGridSpec(
        num_scalar_prefetch=1,
        grid=(_NF, _E),
        in_specs=[
            pl.BlockSpec((1, _FT, _D), lambda f, e, cb: (e, f, 0)),
            pl.BlockSpec((1, 1, 1, _FT), lambda f, e, cb: (e, f, 0, 0)),
            pl.BlockSpec((1, _D, _FT), lambda f, e, cb: (e, 0, f)),
            pl.BlockSpec((1, 1, _D), lambda f, e, cb: (e, 0, 0)),
            pl.BlockSpec((_NP, _D), lambda f, e, cb: (0, 0)),
        ],
        out_specs=pl.BlockSpec((_NP, _D), lambda f, e, cb: (0, 0)),
        scratch_shapes=[pltpu.VMEM((_FT, _D), jnp.bfloat16),
                        pltpu.VMEM((_D, _FT), jnp.bfloat16)],
    )
    return pl.pallas_call(
        _ffn_body,
        grid_spec=grid_spec,
        out_shape=jax.ShapeDtypeStruct((_NP, _D), jnp.float32),
        compiler_params=pltpu.CompilerParams(
            dimension_semantics=("arbitrary", "arbitrary"),
            vmem_limit_bytes=60 * 1024 * 1024),
    )(cb, w1, b1.reshape(_E, _NF, 1, _FT), w2, b2.reshape(_E, 1, _D), lnb)


def _resid(x, g, alpha):
    return pl.pallas_call(
        _resid_body,
        grid=(_TR,),
        in_specs=[pl.BlockSpec((_TM, _D), lambda i: (i, 0)),
                  pl.BlockSpec((_TM, _D), lambda i: (i, 0)),
                  pl.BlockSpec((_TM, 1), lambda i: (i, 0))],
        out_specs=pl.BlockSpec((_TM, _D), lambda i: (i, 0)),
        out_shape=jax.ShapeDtypeStruct((_S, _D), jnp.float32),
    )(x, g, alpha)


def kernel(input_features, expert_centroids, ln_g, ln_b, w1, b1, w2, b2):
    x = input_features.reshape(_S, _D)
    slot, te, nt, cb, alpha = _routing(x, expert_centroids)
    x_pad = _dispatch(x, slot)
    lnb = _ln(te, nt, x_pad, ln_g, ln_b)
    ffn_pad = _ffn(cb, lnb, w1, b1, w2, b2)
    g = _combine(ffn_pad, slot)
    y = _resid(x, g, alpha)
    return y.reshape(input_features.shape)

# --- scband reference (transcript-rebuilt; emitter-appended) ---
"""Pipeline reference for scband-base-layer-55336358643333 (READ-ONLY COPY).

The authoritative reference and input builder live on the scoring server;
editing this copy changes nothing except your own understanding.
"""

import jax, jax.numpy as jnp
import numpy as np

E = 8
D = 1024
F = 4096
B = 1
S = 2048


def setup_inputs(seed: int = 0) -> dict:
    key = jax.random.key(seed)
    ks = jax.random.split(key, 6)
    x = jax.random.normal(ks[0], (B, S, D), dtype=jnp.float32)
    # orthogonal init with gain 0.1 for expert centroids [E, D]
    A = jax.random.normal(ks[1], (D, E), dtype=jnp.float32)
    Q, _ = jnp.linalg.qr(A)
    expert_centroids = (0.1 * Q.T).astype(jnp.float32)
    ln_g = jnp.ones((E, D), dtype=jnp.float32)
    ln_b = jnp.zeros((E, D), dtype=jnp.float32)
    w1 = jax.random.normal(ks[2], (E, F, D), dtype=jnp.float32) / np.sqrt(D)
    b1 = jnp.zeros((E, F), dtype=jnp.float32)
    # torch code zero-inits ff2; we use small random weights so the expert FFN is non-trivial
    w2 = jax.random.normal(ks[3], (E, D, F), dtype=jnp.float32) * 0.01
    b2 = jnp.zeros((E, D), dtype=jnp.float32)
    return {"input_features": x, "expert_centroids": expert_centroids,
            "ln_g": ln_g, "ln_b": ln_b, "w1": w1, "b1": b1, "w2": w2, "b2": b2}


def reference(input_features, expert_centroids, ln_g, ln_b, w1, b1, w2, b2):
    d = input_features.shape[-1]
    feats = input_features.reshape(-1, d)
    # token-expert affinities computed under no_grad in the torch module
    scores = jax.lax.stop_gradient(feats) @ expert_centroids.T
    # greedy_assignment with k=1: top-1 expert per token (inference path)
    assign = jnp.argmax(scores, axis=1)
    num_experts = expert_centroids.shape[0]
    result = feats
    for e in range(num_experts):
        mask = (assign == e)[:, None]
        toks = feats
        # alpha gate: sigmoid(routed_features . centroid[expert])
        alpha = jax.nn.sigmoid(toks @ expert_centroids[e])[:, None]
        # BaseSublayer: xs + ff2(relu(ff1(LayerNorm(xs))))
        mu = jnp.mean(toks, axis=-1, keepdims=True)
        var = jnp.var(toks, axis=-1, keepdims=True)
        h = (toks - mu) / jnp.sqrt(var + 1e-5) * ln_g[e] + ln_b[e]
        h = jax.nn.relu(h @ w1[e].T + b1[e])
        h = h @ w2[e].T + b2[e]
        expert_out = toks + h
        out_e = alpha * expert_out + (1.0 - alpha) * toks
        # scatter back to original token positions (sort + inverse_sort combined)
        result = jnp.where(mask, out_e, result)
    return result.reshape(input_features.shape)

if __name__ == "__main__":
    import jax
    _d = setup_inputs()
    print(jax.jit(kernel)(*tuple(_d.values())))

</pallas_src>

<mosaic_0001>
#map = affine_map<(d0, d1) -> (0, 0)>
#map1 = affine_map<(d0, d1) -> (0)>
module attributes {stable_mosaic.version = 14 : i64} {
  func.func @kern(%arg0: i32, %arg1: i32, %arg2: memref<2048x1024xf32, #tpu.memory_space<hbm>>, %arg3: memref<2048xi32, #tpu.memory_space<hbm>>, %arg4: memref<3072x1024xf32, #tpu.memory_space<hbm>>, %arg5: memref<64xi32, #tpu.memory_space<vmem>>, %arg6: memref<64x1024xf32, #tpu.memory_space<vmem>>) attributes {dimension_semantics = [#tpu.dimension_semantics<core_parallel>, #tpu.dimension_semantics<subcore_parallel>], iteration_bounds = array<i64: 2, 16>, scalar_prefetch = 0 : i64, scratch_operands = 2 : i64, tpu.core_type = #tpu.core_type<sc_vector_subcore>, window_params = [{transform_indices = #map}, {transform_indices = #map1}, {transform_indices = #map}]} {
    %mul3A = arith.constant 2 : i32
    %mul3A_0 = arith.muli %arg1, %mul3A : i32
    %add3A = arith.addi %mul3A_0, %arg0 : i32
    %mul3A_1 = arith.constant 64 : i32
    %mul3A_2 = arith.muli %add3A, %mul3A_1 : i32
    "tpu.region"() ({
      %run_scoped3A = tpu.sem_alloc : memref<!tpu.dma_semaphore, #tpu.memory_space<semaphore_mem>>
      %dma_start3A = tpu.memref_slice %arg3[%mul3A_2] : memref<2048xi32, #tpu.memory_space<hbm>> -> memref<64xi32, #tpu.memory_space<hbm>>
      %dma_start3A_3 = tpu.memref_slice %arg3[%mul3A_2] : memref<2048xi32, #tpu.memory_space<hbm>> -> memref<64xi32, #tpu.memory_space<hbm>>
      tpu.enqueue_dma source(%dma_start3A_3 : memref<64xi32, #tpu.memory_space<hbm>>) target(%arg5 : memref<64xi32, #tpu.memory_space<vmem>>) target_semaphore(%run_scoped3A : memref<!tpu.dma_semaphore, #tpu.memory_space<semaphore_mem>>)
      %dma_wait3A = tpu.memref_slice %arg3[%mul3A_2] : memref<2048xi32, #tpu.memory_space<hbm>> -> memref<64xi32, #tpu.memory_space<hbm>>
      %dma_wait3A_4 = tpu.memref_slice %arg3[%mul3A_2] : memref<2048xi32, #tpu.memory_space<hbm>> -> memref<64xi32, #tpu.memory_space<hbm>>
      tpu.wait_dma2 semaphore(%run_scoped3A : memref<!tpu.dma_semaphore, #tpu.memory_space<semaphore_mem>>) src(%dma_wait3A_4 : memref<64xi32, #tpu.memory_space<hbm>>) dst(%arg5 : memref<64xi32, #tpu.memory_space<vmem>>)
      tpu.yield
    }) : () -> ()
    "tpu.region"() ({
      %run_scoped3A = tpu.sem_alloc : memref<!tpu.dma_semaphore, #tpu.memory_space<semaphore_mem>>
      %dma_start3A = arith.constant 0 : i32
      %dma_start3A_3 = tpu.memref_slice %arg2[%mul3A_2, %dma_start3A] : memref<2048x1024xf32, #tpu.memory_space<hbm>> -> memref<64x1024xf32, #tpu.memory_space<hbm>>
      %dma_start3A_4 = arith.constant 0 : i32
      %dma_start3A_5 = tpu.memref_slice %arg2[%mul3A_2, %dma_start3A_4] : memref<2048x1024xf32, #tpu.memory_space<hbm>> -> memref<64x1024xf32, #tpu.memory_space<hbm>>
      tpu.enqueue_dma source(%dma_start3A_5 : memref<64x1024xf32, #tpu.memory_space<hbm>>) target(%arg6 : memref<64x1024xf32, #tpu.memory_space<vmem>>) target_semaphore(%run_scoped3A : memref<!tpu.dma_semaphore, #tpu.memory_space<semaphore_mem>>)
      %dma_wait3A = arith.constant 0 : i32
      %dma_wait3A_6 = tpu.memref_slice %arg2[%mul3A_2, %dma_wait3A] : memref<2048x1024xf32, #tpu.memory_space<hbm>> -> memref<64x1024xf32, #tpu.memory_space<hbm>>
      %dma_wait3A_7 = arith.constant 0 : i32
      %dma_wait3A_8 = tpu.memref_slice %arg2[%mul3A_2, %dma_wait3A_7] : memref<2048x1024xf32, #tpu.memory_space<hbm>> -> memref<64x1024xf32, #tpu.memory_space<hbm>>
      tpu.wait_dma2 semaphore(%run_scoped3A : memref<!tpu.dma_semaphore, #tpu.memory_space<semaphore_mem>>) src(%dma_wait3A_8 : memref<64x1024xf32, #tpu.memory_space<hbm>>) dst(%arg6 : memref<64x1024xf32, #tpu.memory_space<vmem>>)
      tpu.yield
    }) : () -> ()
    "tpu.region"() ({
      %run_scoped3A = tpu.sem_alloc : memref<!tpu.dma_semaphore, #tpu.memory_space<semaphore_mem>>
      %dma_start3A = arith.constant 0 : i32
      %dma_start3A_3 = arith.constant 0 : i32
      %dma_start3A_4 = tpu.memref_slice %arg4[%dma_start3A, %dma_start3A_3] : memref<3072x1024xf32, #tpu.memory_space<hbm>> -> memref<3072x1024xf32, #tpu.memory_space<hbm>>
      tpu.enqueue_indirect_dma source(%arg6 : memref<64x1024xf32, #tpu.memory_space<vmem>>) target(%dma_start3A_4 : memref<3072x1024xf32, #tpu.memory_space<hbm>>) offsets(%arg5 : memref<64xi32, #tpu.memory_space<vmem>>) semaphore(%run_scoped3A : memref<!tpu.dma_semaphore, #tpu.memory_space<semaphore_mem>>)
      %dma_wait3A = arith.constant 0 : i32
      %dma_wait3A_5 = arith.constant 0 : i32
      %dma_wait3A_6 = tpu.memref_slice %arg4[%dma_wait3A, %dma_wait3A_5] : memref<3072x1024xf32, #tpu.memory_space<hbm>> -> memref<3072x1024xf32, #tpu.memory_space<hbm>>
      tpu.wait_indirect_dma semaphore(%run_scoped3A : memref<!tpu.dma_semaphore, #tpu.memory_space<semaphore_mem>>) src(%arg6 : memref<64x1024xf32, #tpu.memory_space<vmem>>) dst(%dma_wait3A_6 : memref<3072x1024xf32, #tpu.memory_space<hbm>>)
      tpu.yield
    }) : () -> ()
    return
  }
}

#map = affine_map<(d0, d1) -> (0, 0)>
#map1 = affine_map<(d0, d1) -> (0)>
module attributes {stable_mosaic.version = 14 : i64} {
  func.func @kern(%arg0: i32, %arg1: i32, %arg2: memref<3072x1024xf32, #tpu.memory_space<hbm>>, %arg3: memref<2048xi32, #tpu.memory_space<hbm>>, %arg4: memref<2048x1024xf32, #tpu.memory_space<hbm>>, %arg5: memref<64xi32, #tpu.memory_space<vmem>>, %arg6: memref<64x1024xf32, #tpu.memory_space<vmem>>) attributes {dimension_semantics = [#tpu.dimension_semantics<core_parallel>, #tpu.dimension_semantics<subcore_parallel>], iteration_bounds = array<i64: 2, 16>, scalar_prefetch = 0 : i64, scratch_operands = 2 : i64, tpu.core_type = #tpu.core_type<sc_vector_subcore>, window_params = [{transform_indices = #map}, {transform_indices = #map1}, {transform_indices = #map}]} {
    %mul3A = arith.constant 2 : i32
    %mul3A_0 = arith.muli %arg1, %mul3A : i32
    %add3A = arith.addi %mul3A_0, %arg0 : i32
    %mul3A_1 = arith.constant 64 : i32
    %mul3A_2 = arith.muli %add3A, %mul3A_1 : i32
    "tpu.region"() ({
      %run_scoped3A = tpu.sem_alloc : memref<!tpu.dma_semaphore, #tpu.memory_space<semaphore_mem>>
      %dma_start3A = tpu.memref_slice %arg3[%mul3A_2] : memref<2048xi32, #tpu.memory_space<hbm>> -> memref<64xi32, #tpu.memory_space<hbm>>
      %dma_start3A_3 = tpu.memref_slice %arg3[%mul3A_2] : memref<2048xi32, #tpu.memory_space<hbm>> -> memref<64xi32, #tpu.memory_space<hbm>>
      tpu.enqueue_dma source(%dma_start3A_3 : memref<64xi32, #tpu.memory_space<hbm>>) target(%arg5 : memref<64xi32, #tpu.memory_space<vmem>>) target_semaphore(%run_scoped3A : memref<!tpu.dma_semaphore, #tpu.memory_space<semaphore_mem>>)
      %dma_wait3A = tpu.memref_slice %arg3[%mul3A_2] : memref<2048xi32, #tpu.memory_space<hbm>> -> memref<64xi32, #tpu.memory_space<hbm>>
      %dma_wait3A_4 = tpu.memref_slice %arg3[%mul3A_2] : memref<2048xi32, #tpu.memory_space<hbm>> -> memref<64xi32, #tpu.memory_space<hbm>>
      tpu.wait_dma2 semaphore(%run_scoped3A : memref<!tpu.dma_semaphore, #tpu.memory_space<semaphore_mem>>) src(%dma_wait3A_4 : memref<64xi32, #tpu.memory_space<hbm>>) dst(%arg5 : memref<64xi32, #tpu.memory_space<vmem>>)
      tpu.yield
    }) : () -> ()
    "tpu.region"() ({
      %run_scoped3A = tpu.sem_alloc : memref<!tpu.dma_semaphore, #tpu.memory_space<semaphore_mem>>
      %dma_start3A = arith.constant 0 : i32
      %dma_start3A_3 = arith.constant 0 : i32
      %dma_start3A_4 = tpu.memref_slice %arg2[%dma_start3A, %dma_start3A_3] : memref<3072x1024xf32, #tpu.memory_space<hbm>> -> memref<3072x1024xf32, #tpu.memory_space<hbm>>
      tpu.enqueue_indirect_dma source(%dma_start3A_4 : memref<3072x1024xf32, #tpu.memory_space<hbm>>) target(%arg6 : memref<64x1024xf32, #tpu.memory_space<vmem>>) offsets(%arg5 : memref<64xi32, #tpu.memory_space<vmem>>) semaphore(%run_scoped3A : memref<!tpu.dma_semaphore, #tpu.memory_space<semaphore_mem>>)
      %dma_wait3A = arith.constant 0 : i32
      %dma_wait3A_5 = arith.constant 0 : i32
      %dma_wait3A_6 = tpu.memref_slice %arg2[%dma_wait3A, %dma_wait3A_5] : memref<3072x1024xf32, #tpu.memory_space<hbm>> -> memref<3072x1024xf32, #tpu.memory_space<hbm>>
      tpu.wait_indirect_dma semaphore(%run_scoped3A : memref<!tpu.dma_semaphore, #tpu.memory_space<semaphore_mem>>) src(%dma_wait3A_6 : memref<3072x1024xf32, #tpu.memory_space<hbm>>) dst(%arg6 : memref<64x1024xf32, #tpu.memory_space<vmem>>)
      tpu.yield
    }) : () -> ()
    "tpu.region"() ({
      %run_scoped3A = tpu.sem_alloc : memref<!tpu.dma_semaphore, #tpu.memory_space<semaphore_mem>>
      %dma_start3A = arith.constant 0 : i32
      %dma_start3A_3 = tpu.memref_slice %arg4[%mul3A_2, %dma_start3A] : memref<2048x1024xf32, #tpu.memory_space<hbm>> -> memref<64x1024xf32, #tpu.memory_space<hbm>>
      %dma_start3A_4 = arith.constant 0 : i32
      %dma_start3A_5 = tpu.memref_slice %arg4[%mul3A_2, %dma_start3A_4] : memref<2048x1024xf32, #tpu.memory_space<hbm>> -> memref<64x1024xf32, #tpu.memory_space<hbm>>
      tpu.enqueue_dma source(%arg6 : memref<64x1024xf32, #tpu.memory_space<vmem>>) target(%dma_start3A_5 : memref<64x1024xf32, #tpu.memory_space<hbm>>) target_semaphore(%run_scoped3A : memref<!tpu.dma_semaphore, #tpu.memory_space<semaphore_mem>>)
      %dma_wait3A = arith.constant 0 : i32
      %dma_wait3A_6 = tpu.memref_slice %arg4[%mul3A_2, %dma_wait3A] : memref<2048x1024xf32, #tpu.memory_space<hbm>> -> memref<64x1024xf32, #tpu.memory_space<hbm>>
      %dma_wait3A_7 = arith.constant 0 : i32
      %dma_wait3A_8 = tpu.memref_slice %arg4[%mul3A_2, %dma_wait3A_7] : memref<2048x1024xf32, #tpu.memory_space<hbm>> -> memref<64x1024xf32, #tpu.memory_space<hbm>>
      tpu.wait_dma2 semaphore(%run_scoped3A : memref<!tpu.dma_semaphore, #tpu.memory_space<semaphore_mem>>) src(%arg6 : memref<64x1024xf32, #tpu.memory_space<vmem>>) dst(%dma_wait3A_8 : memref<64x1024xf32, #tpu.memory_space<hbm>>)
      tpu.yield
    }) : () -> ()
    return
  }
}

module attributes {stable_mosaic.version = 14 : i64} {
  func.func @_scores_body(%arg0: i32, %arg1: memref<256x1024xf32, #tpu.memory_space<vmem>>, %arg2: memref<8x1024xf32, #tpu.memory_space<vmem>>, %arg3: memref<256x8xf32, #tpu.memory_space<vmem>>) attributes {dimension_semantics = [#tpu.dimension_semantics<arbitrary>], iteration_bounds = array<i64: 8>, scalar_prefetch = 0 : i64, scratch_operands = 0 : i64, tpu.core_type = #tpu.core_type<tc>, window_params = [{transform_indices = @transform_0, window_bounds = array<i64: 256, 1024>}, {pipeline_mode = #tpu.pipeline_mode<synchronous>, transform_indices = @transform_1, window_bounds = array<i64: 8, 1024>}, {transform_indices = @transform_2, window_bounds = array<i64: 256, 8>}]} {
    %get3A = arith.constant 0 : index
    %get3A_0 = arith.constant 0 : index
    %get3A_1 = vector.load %arg1[%get3A, %get3A_0] : memref<256x1024xf32, #tpu.memory_space<vmem>>, vector<256x1024xf32>
    %get3A_2 = arith.constant 0 : index
    %get3A_3 = arith.constant 0 : index
    %get3A_4 = vector.load %arg2[%get3A_2, %get3A_3] : memref<8x1024xf32, #tpu.memory_space<vmem>>, vector<8x1024xf32>
    %dot_general3A = arith.constant dense<0.000000e+00> : vector<256x8xf32>
    %dot_general3A_5 = tpu.matmul %get3A_1, %get3A_4, %dot_general3A {dimension_numbers = #tpu.dot_dimension_numbers<[1], [1], [0], [0], [0, 0, 1, 0], [], []>, transpose_lhs_hint = false} : vector<256x1024xf32>, vector<8x1024xf32>, vector<256x8xf32> -> vector<256x8xf32>
    %swap3A = arith.constant 0 : index
    %swap3A_6 = arith.constant 0 : index
    %swap3A_7 = vector.load %arg3[%swap3A, %swap3A_6] : memref<256x8xf32, #tpu.memory_space<vmem>>, vector<256x8xf32>
    tpu.vector_store %arg3[%swap3A, %swap3A_6], %dot_general3A_5 {strides = array<i32>} : memref<256x8xf32, #tpu.memory_space<vmem>>, vector<256x8xf32>,
    return
  }
  func.func @transform_0(%arg0: i32) -> (i32, i32) {
    %c0_i32 = arith.constant 0 : i32
    %c0_i32_0 = arith.constant 0 : i32
    return %arg0, %c0_i32 : i32, i32
  }
  func.func @transform_1(%arg0: i32) -> (i32, i32) {
    %c0_i32 = arith.constant 0 : i32
    %c0_i32_0 = arith.constant 0 : i32
    %c0_i32_1 = arith.constant 0 : i32
    return %c0_i32, %c0_i32_0 : i32, i32
  }
  func.func @transform_2(%arg0: i32) -> (i32, i32) {
    %c0_i32 = arith.constant 0 : i32
    %c0_i32_0 = arith.constant 0 : i32
    return %arg0, %c0_i32 : i32, i32
  }
}

module attributes {stable_mosaic.version = 14 : i64} {
  func.func @_route_body(%arg0: memref<8x16x128xf32, #tpu.memory_space<vmem>>, %arg1: memref<16x128xi32, #tpu.memory_space<vmem>>, %arg2: memref<1x24xi32, #tpu.memory_space<vmem>>, %arg3: memref<1x1xi32, #tpu.memory_space<vmem>>, %arg4: memref<1x9xi32, #tpu.memory_space<vmem>>, %arg5: memref<16x128xf32, #tpu.memory_space<vmem>>) attributes {dimension_semantics = [], scalar_prefetch = 0 : i64, scratch_operands = 0 : i64, tpu.core_type = #tpu.core_type<tc>} {
    %get3A = arith.constant 0 : index
    %get3A_0 = arith.constant 0 : index
    %get3A_1 = arith.constant 0 : index
    %get3A_2 = vector.load %arg0[%get3A, %get3A_0, %get3A_1] : memref<8x16x128xf32, #tpu.memory_space<vmem>>, vector<1x16x128xf32>
    %get3A_3 = vector.shape_cast %get3A_2 : vector<1x16x128xf32> to vector<16x128xf32>
    %get3A_4 = arith.constant 1 : index
    %get3A_5 = arith.constant 0 : index
    %get3A_6 = arith.constant 0 : index
    %get3A_7 = vector.load %arg0[%get3A_4, %get3A_5, %get3A_6] : memref<8x16x128xf32, #tpu.memory_space<vmem>>, vector<1x16x128xf32>
    %get3A_8 = vector.shape_cast %get3A_7 : vector<1x16x128xf32> to vector<16x128xf32>
    %get3A_9 = arith.constant 2 : index
    %get3A_10 = arith.constant 0 : index
    %get3A_11 = arith.constant 0 : index
    %get3A_12 = vector.load %arg0[%get3A_9, %get3A_10, %get3A_11] : memref<8x16x128xf32, #tpu.memory_space<vmem>>, vector<1x16x128xf32>
    %get3A_13 = vector.shape_cast %get3A_12 : vector<1x16x128xf32> to vector<16x128xf32>
    %get3A_14 = arith.constant 3 : index
    %get3A_15 = arith.constant 0 : index
    %get3A_16 = arith.constant 0 : index
    %get3A_17 = vector.load %arg0[%get3A_14, %get3A_15, %get3A_16] : memref<8x16x128xf32, #tpu.memory_space<vmem>>, vector<1x16x128xf32>
    %get3A_18 = vector.shape_cast %get3A_17 : vector<1x16x128xf32> to vector<16x128xf32>
    %get3A_19 = arith.constant 4 : index
    %get3A_20 = arith.constant 0 : index
    %get3A_21 = arith.constant 0 : index
    %get3A_22 = vector.load %arg0[%get3A_19, %get3A_20, %get3A_21] : memref<8x16x128xf32, #tpu.memory_space<vmem>>, vector<1x16x128xf32>
    %get3A_23 = vector.shape_cast %get3A_22 : vector<1x16x128xf32> to vector<16x128xf32>
    %get3A_24 = arith.constant 5 : index
    %get3A_25 = arith.constant 0 : index
    %get3A_26 = arith.constant 0 : index
    %get3A_27 = vector.load %arg0[%get3A_24, %get3A_25, %get3A_26] : memref<8x16x128xf32, #tpu.memory_space<vmem>>, vector<1x16x128xf32>
    %get3A_28 = vector.shape_cast %get3A_27 : vector<1x16x128xf32> to vector<16x128xf32>
    %get3A_29 = arith.constant 6 : index
    %get3A_30 = arith.constant 0 : index
    %get3A_31 = arith.constant 0 : index
    %get3A_32 = vector.load %arg0[%get3A_29, %get3A_30, %get3A_31] : memref<8x16x128xf32, #tpu.memory_space<vmem>>, vector<1x16x128xf32>
    %get3A_33 = vector.shape_cast %get3A_32 : vector<1x16x128xf32> to vector<16x128xf32>
    %get3A_34 = arith.constant 7 : index
    %get3A_35 = arith.constant 0 : index
    %get3A_36 = arith.constant 0 : index
    %get3A_37 = vector.load %arg0[%get3A_34, %get3A_35, %get3A_36] : memref<8x16x128xf32, #tpu.memory_space<vmem>>, vector<1x16x128xf32>
    %get3A_38 = vector.shape_cast %get3A_37 : vector<1x16x128xf32> to vector<16x128xf32>
    %max3A = arith.maximumf %get3A_3, %get3A_8 : vector<16x128xf32>
    %max3A_39 = arith.maximumf %max3A, %get3A_13 : vector<16x128xf32>
    %max3A_40 = arith.maximumf %max3A_39, %get3A_18 : vector<16x128xf32>
    %max3A_41 = arith.maximumf %max3A_40, %get3A_23 : vector<16x128xf32>
    %max3A_42 = arith.maximumf %max3A_41, %get3A_28 : vector<16x128xf32>
    %max3A_43 = arith.maximumf %max3A_42, %get3A_33 : vector<16x128xf32>
    %max3A_44 = arith.maximumf %max3A_43, %get3A_38 : vector<16x128xf32>
    %broadcast_in_dim3A = arith.constant 7 : i32
    %broadcast_in_dim3A_45 = vector.broadcast %broadcast_in_dim3A : i32 to vector<16x128xi32>
    %eq3A = arith.cmpf oeq, %get3A_33, %max3A_44 : vector<16x128xf32>
    %jit3A = arith.constant 6 : i32
    %broadcast_in_dim3A_46 = vector.broadcast %jit3A : i32 to vector<16x128xi32>
    %select_n3A = arith.select %eq3A, %broadcast_in_dim3A_46, %broadcast_in_dim3A_45 : vector<16x128xi1>, vector<16x128xi32>
    %eq3A_47 = arith.cmpf oeq, %get3A_28, %max3A_44 : vector<16x128xf32>
    %jit3A_48 = arith.constant 5 : i32
    %broadcast_in_dim3A_49 = vector.broadcast %jit3A_48 : i32 to vector<16x128xi32>
    %select_n3A_50 = arith.select %eq3A_47, %broadcast_in_dim3A_49, %select_n3A : vector<16x128xi1>, vector<16x128xi32>
    %eq3A_51 = arith.cmpf oeq, %get3A_23, %max3A_44 : vector<16x128xf32>
    %jit3A_52 = arith.constant 4 : i32
    %broadcast_in_dim3A_53 = vector.broadcast %jit3A_52 : i32 to vector<16x128xi32>
    %select_n3A_54 = arith.select %eq3A_51, %broadcast_in_dim3A_53, %select_n3A_50 : vector<16x128xi1>, vector<16x128xi32>
    %eq3A_55 = arith.cmpf oeq, %get3A_18, %max3A_44 : vector<16x128xf32>
    %jit3A_56 = arith.constant 3 : i32
    %broadcast_in_dim3A_57 = vector.broadcast %jit3A_56 : i32 to vector<16x128xi32>
    %select_n3A_58 = arith.select %eq3A_55, %broadcast_in_dim3A_57, %select_n3A_54 : vector<16x128xi1>, vector<16x128xi32>
    %eq3A_59 = arith.cmpf oeq, %get3A_13, %max3A_44 : vector<16x128xf32>
    %jit3A_60 = arith.constant 2 : i32
    %broadcast_in_dim3A_61 = vector.broadcast %jit3A_60 : i32 to vector<16x128xi32>
    %select_n3A_62 = arith.select %eq3A_59, %broadcast_in_dim3A_61, %select_n3A_58 : vector<16x128xi1>, vector<16x128xi32>
    %eq3A_63 = arith.cmpf oeq, %get3A_8, %max3A_44 : vector<16x128xf32>
    %jit3A_64 = arith.constant 1 : i32
    %broadcast_in_dim3A_65 = vector.broadcast %jit3A_64 : i32 to vector<16x128xi32>
    %select_n3A_66 = arith.select %eq3A_63, %broadcast_in_dim3A_65, %select_n3A_62 : vector<16x128xi1>, vector<16x128xi32>
    %eq3A_67 = arith.cmpf oeq, %get3A_3, %max3A_44 : vector<16x128xf32>
    %jit3A_68 = arith.constant 0 : i32
    %broadcast_in_dim3A_69 = vector.broadcast %jit3A_68 : i32 to vector<16x128xi32>
    %select_n3A_70 = arith.select %eq3A_67, %broadcast_in_dim3A_69, %select_n3A_66 : vector<16x128xi1>, vector<16x128xi32>
    %neg3A = arith.constant 0.000000e+00 : f32
    %neg3A_71 = vector.broadcast %neg3A : f32 to vector<16x128xf32>
    %neg3A_72 = arith.subf %neg3A_71, %max3A_44 : vector<16x128xf32>
    %exp3A = math.exp %neg3A_72 : vector<16x128xf32>
    %add3A = arith.constant 1.000000e+00 : f32
    %add3A_73 = vector.broadcast %add3A : f32 to vector<16x128xf32>
    %add3A_74 = arith.addf %add3A_73, %exp3A : vector<16x128xf32>
    %div3A = arith.constant 1.000000e+00 : f32
    %div3A_75 = vector.broadcast %div3A : f32 to vector<16x128xf32>
    %div3A_76 = arith.divf %div3A_75, %add3A_74 : vector<16x128xf32>
    %swap3A = arith.constant 0 : index
    %swap3A_77 = arith.constant 0 : index
    %swap3A_78 = vector.load %arg5[%swap3A, %swap3A_77] : memref<16x128xf32, #tpu.memory_space<vmem>>, vector<16x128xf32>
    tpu.vector_store %arg5[%swap3A, %swap3A_77], %div3A_76 {strides = array<i32>} : memref<16x128xf32, #tpu.memory_space<vmem>>, vector<16x128xf32>,
    %iota3A = tpu.iota {dimensions = array<i32: 0>} : vector<128x128xi32>
    %iota3A_79 = tpu.iota {dimensions = array<i32: 1>} : vector<128x128xi32>
    %le3A = arith.cmpi sle, %iota3A, %iota3A_79 : vector<128x128xi32>
    %convert_element_type3A = arith.extui %le3A : vector<128x128xi1> to vector<128x128xi32>
    %convert_element_type3A_80 = arith.sitofp %convert_element_type3A : vector<128x128xi32> to vector<128x128xf32>
    %iota3A_81 = tpu.iota {dimensions = array<i32: 0>} : vector<16x16xi32>
    %iota3A_82 = tpu.iota {dimensions = array<i32: 1>} : vector<16x16xi32>
    %lt3A = arith.cmpi slt, %iota3A_82, %iota3A_81 : vector<16x16xi32>
    %convert_element_type3A_83 = arith.extui %lt3A : vector<16x16xi1> to vector<16x16xi32>
    %convert_element_type3A_84 = arith.sitofp %convert_element_type3A_83 : vector<16x16xi32> to vector<16x16xf32>
    %iota3A_85 = tpu.iota {dimensions = array<i32: 1>} : vector<1x24xi32>
    %iota3A_86 = tpu.iota {dimensions = array<i32: 1>} : vector<1x9xi32>
    %broadcast_in_dim3A_87 = arith.constant 0.000000e+00 : f32
    %broadcast_in_dim3A_88 = vector.broadcast %broadcast_in_dim3A_87 : f32 to vector<16x128xf32>
    %broadcast_in_dim3A_89 = arith.constant 0 : i32
    %broadcast_in_dim3A_90 = vector.broadcast %broadcast_in_dim3A_89 : i32 to vector<1x24xi32>
    %broadcast_in_dim3A_91 = arith.constant 0 : i32
    %broadcast_in_dim3A_92 = vector.broadcast %broadcast_in_dim3A_91 : i32 to vector<1x9xi32>
    %broadcast_in_dim3A_93 = arith.constant 0 : i32
    %broadcast_in_dim3A_94 = vector.broadcast %broadcast_in_dim3A_93 : i32 to vector<1x1xi32>
    %broadcast_in_dim3A_95 = arith.constant 0 : i32
    %broadcast_in_dim3A_96 = vector.broadcast %broadcast_in_dim3A_95 : i32 to vector<1x1xi32>
    %broadcast_in_dim3A_97 = arith.constant 0 : i32
    %broadcast_in_dim3A_98 = vector.broadcast %broadcast_in_dim3A_97 : i32 to vector<1x1xi32>
    %eq3A_99 = arith.constant 0 : i32
    %eq3A_100 = vector.broadcast %eq3A_99 : i32 to vector<16x128xi32>
    %eq3A_101 = arith.cmpi eq, %select_n3A_70, %eq3A_100 : vector<16x128xi32>
    %convert_element_type3A_102 = arith.extui %eq3A_101 : vector<16x128xi1> to vector<16x128xi32>
    %convert_element_type3A_103 = arith.sitofp %convert_element_type3A_102 : vector<16x128xi32> to vector<16x128xf32>
    %dot_general3A = arith.constant dense<0.000000e+00> : vector<16x128xf32>
    %dot_general3A_104 = tpu.matmul %convert_element_type3A_103, %convert_element_type3A_80, %dot_general3A {dimension_numbers = #tpu.dot_dimension_numbers<[1], [0], [0], [1], [0, 0, 1, 1], [], []>, transpose_lhs_hint = false} : vector<16x128xf32>, vector<128x128xf32>, vector<16x128xf32> -> vector<16x128xf32>
    %reduce_sum3A = arith.constant dense<0.000000e+00> : vector<16xf32>
    %reduce_sum3A_105 = vector.multi_reduction <add>, %convert_element_type3A_103, %reduce_sum3A [1] : vector<16x128xf32> to vector<16xf32>
    %broadcast_in_dim3A_106 = vector.shape_cast %reduce_sum3A_105 : vector<16xf32> to vector<16x1xf32>
    %dot_general3A_107 = arith.constant dense<0.000000e+00> : vector<16x1xf32>
    %dot_general3A_108 = tpu.matmul %convert_element_type3A_84, %broadcast_in_dim3A_106, %dot_general3A_107 {dimension_numbers = #tpu.dot_dimension_numbers<[1], [0], [0], [1], [0, 0, 1, 1], [], []>, transpose_lhs_hint = false} : vector<16x16xf32>, vector<16x1xf32>, vector<16x1xf32> -> vector<16x1xf32>
    %sub3A = arith.constant 1.000000e+00 : f32
    %sub3A_109 = vector.broadcast %sub3A : f32 to vector<16x128xf32>
    %sub3A_110 = arith.subf %dot_general3A_104, %sub3A_109 : vector<16x128xf32>
    %add3A_111 = vector.broadcast %dot_general3A_108 : vector<16x1xf32> to vector<16x128xf32>
    %add3A_112 = arith.addf %sub3A_110, %add3A_111 : vector<16x128xf32>
    %convert_element_type3A_113 = arith.sitofp %broadcast_in_dim3A_94 : vector<1x1xi32> to vector<1x1xf32>
    %add3A_114 = vector.broadcast %convert_element_type3A_113 : vector<1x1xf32> to vector<16x128xf32>
    %add3A_115 = arith.addf %add3A_114, %add3A_112 : vector<16x128xf32>
    %mul3A = arith.mulf %convert_element_type3A_103, %add3A_115 : vector<16x128xf32>
    %add3A_116 = arith.addf %broadcast_in_dim3A_88, %mul3A : vector<16x128xf32>
    %reduce_sum3A_117 = vector.shape_cast %convert_element_type3A_103 : vector<16x128xf32> to vector<1x16x128xf32>
    %reduce_sum3A_118 = arith.constant dense<0.000000e+00> : vector<1xf32>
    %reduce_sum3A_119 = vector.multi_reduction <add>, %reduce_sum3A_117, %reduce_sum3A_118 [1, 2] : vector<1x16x128xf32> to vector<1xf32>
    %reduce_sum3A_120 = vector.shape_cast %reduce_sum3A_119 : vector<1xf32> to vector<1x1x1xf32>
    %reduce_sum3A_121 = vector.extract %reduce_sum3A_120[0, 0, 0] : f32 from vector<1x1x1xf32>
    %broadcast_in_dim3A_122 = vector.broadcast %reduce_sum3A_121 : f32 to vector<1x1xf32>
    %convert_element_type3A_123 = arith.fptosi %broadcast_in_dim3A_122 : vector<1x1xf32> to vector<1x1xi32>
    %add3A_124 = arith.constant 128 : i32
    %add3A_125 = vector.broadcast %add3A_124 : i32 to vector<1x1xi32>
    %add3A_126 = arith.addi %convert_element_type3A_123, %add3A_125 : vector<1x1xi32>
    %sub3A_127 = arith.constant 1 : i32
    %sub3A_128 = vector.broadcast %sub3A_127 : i32 to vector<1x1xi32>
    %sub3A_129 = arith.subi %add3A_126, %sub3A_128 : vector<1x1xi32>
    %jit3A_130 = arith.constant 128 : i32
    %div3A_131 = vector.broadcast %jit3A_130 : i32 to vector<1x1xi32>
    %div3A_132 = arith.divsi %sub3A_129, %div3A_131 : vector<1x1xi32>
    %sign3A = arith.constant 0 : i32
    %sign3A_133 = vector.broadcast %sign3A : i32 to vector<1x1xi32>
    %sign3A_134 = arith.cmpi sgt, %sub3A_129, %sign3A_133 : vector<1x1xi32>
    %sign3A_135 = arith.extui %sign3A_134 : vector<1x1xi1> to vector<1x1xi32>
    %sign3A_136 = arith.constant 0 : i32
    %sign3A_137 = vector.broadcast %sign3A_136 : i32 to vector<1x1xi32>
    %sign3A_138 = arith.cmpi slt, %sub3A_129, %sign3A_137 : vector<1x1xi32>
    %sign3A_139 = arith.extui %sign3A_138 : vector<1x1xi1> to vector<1x1xi32>
    %sign3A_140 = arith.subi %sign3A_135, %sign3A_139 : vector<1x1xi32>
    %sign3A_141 = arith.constant 0 : i32
    %sign3A_142 = arith.cmpi sgt, %jit3A_130, %sign3A_141 : i32
    %sign3A_143 = arith.extui %sign3A_142 : i1 to i32
    %sign3A_144 = arith.constant 0 : i32
    %sign3A_145 = arith.cmpi slt, %jit3A_130, %sign3A_144 : i32
    %sign3A_146 = arith.extui %sign3A_145 : i1 to i32
    %sign3A_147 = arith.subi %sign3A_143, %sign3A_146 : i32
    %ne3A = vector.broadcast %sign3A_147 : i32 to vector<1x1xi32>
    %ne3A_148 = arith.cmpi ne, %sign3A_140, %ne3A : vector<1x1xi32>
    %rem3A = vector.broadcast %jit3A_130 : i32 to vector<1x1xi32>
    %rem3A_149 = arith.remsi %sub3A_129, %rem3A : vector<1x1xi32>
    %ne3A_150 = arith.constant 0 : i32
    %ne3A_151 = vector.broadcast %ne3A_150 : i32 to vector<1x1xi32>
    %ne3A_152 = arith.cmpi ne, %rem3A_149, %ne3A_151 : vector<1x1xi32>
    %and3A = arith.andi %ne3A_148, %ne3A_152 : vector<1x1xi1>
    %sub3A_153 = arith.constant 1 : i32
    %sub3A_154 = vector.broadcast %sub3A_153 : i32 to vector<1x1xi32>
    %sub3A_155 = arith.subi %div3A_132, %sub3A_154 : vector<1x1xi32>
    %select_n3A_156 = arith.select %and3A, %sub3A_155, %div3A_132 : vector<1x1xi1>, vector<1x1xi32>
    %gt3A = arith.constant 0 : i32
    %gt3A_157 = vector.broadcast %gt3A : i32 to vector<1x1xi32>
    %gt3A_158 = arith.cmpi sgt, %convert_element_type3A_123, %gt3A_157 : vector<1x1xi32>
    %jit3A_159 = arith.constant 0 : i32
    %broadcast_in_dim3A_160 = vector.broadcast %jit3A_159 : i32 to vector<1x1xi32>
    %select_n3A_161 = arith.select %gt3A_158, %broadcast_in_dim3A_160, %broadcast_in_dim3A_98 : vector<1x1xi1>, vector<1x1xi32>
    %add3A_162 = arith.addi %broadcast_in_dim3A_96, %select_n3A_156 : vector<1x1xi32>
    %ge3A = vector.broadcast %add3A_162 : vector<1x1xi32> to vector<1x24xi32>
    %ge3A_163 = arith.cmpi sge, %iota3A_85, %ge3A : vector<1x24xi32>
    %convert_element_type3A_164 = arith.extui %ge3A_163 : vector<1x24xi1> to vector<1x24xi32>
    %add3A_165 = arith.addi %broadcast_in_dim3A_90, %convert_element_type3A_164 : vector<1x24xi32>
    %eq3A_166 = arith.constant 1 : i32
    %eq3A_167 = vector.broadcast %eq3A_166 : i32 to vector<1x9xi32>
    %eq3A_168 = arith.cmpi eq, %iota3A_86, %eq3A_167 : vector<1x9xi32>
    %convert_element_type3A_169 = arith.extui %eq3A_168 : vector<1x9xi1> to vector<1x9xi32>
    %mul3A_170 = vector.broadcast %add3A_162 : vector<1x1xi32> to vector<1x9xi32>
    %mul3A_171 = arith.muli %convert_element_type3A_169, %mul3A_170 : vector<1x9xi32>
    %add3A_172 = arith.addi %broadcast_in_dim3A_92, %mul3A_171 : vector<1x9xi32>
    %mul3A_173 = arith.constant 128 : i32
    %mul3A_174 = vector.broadcast %mul3A_173 : i32 to vector<1x1xi32>
    %mul3A_175 = arith.muli %select_n3A_156, %mul3A_174 : vector<1x1xi32>
    %add3A_176 = arith.addi %broadcast_in_dim3A_94, %mul3A_175 : vector<1x1xi32>
    %eq3A_177 = arith.constant 1 : i32
    %eq3A_178 = vector.broadcast %eq3A_177 : i32 to vector<16x128xi32>
    %eq3A_179 = arith.cmpi eq, %select_n3A_70, %eq3A_178 : vector<16x128xi32>
    %convert_element_type3A_180 = arith.extui %eq3A_179 : vector<16x128xi1> to vector<16x128xi32>
    %convert_element_type3A_181 = arith.sitofp %convert_element_type3A_180 : vector<16x128xi32> to vector<16x128xf32>
    %dot_general3A_182 = arith.constant dense<0.000000e+00> : vector<16x128xf32>
    %dot_general3A_183 = tpu.matmul %convert_element_type3A_181, %convert_element_type3A_80, %dot_general3A_182 {dimension_numbers = #tpu.dot_dimension_numbers<[1], [0], [0], [1], [0, 0, 1, 1], [], []>, transpose_lhs_hint = false} : vector<16x128xf32>, vector<128x128xf32>, vector<16x128xf32> -> vector<16x128xf32>
    %reduce_sum3A_184 = arith.constant dense<0.000000e+00> : vector<16xf32>
    %reduce_sum3A_185 = vector.multi_reduction <add>, %convert_element_type3A_181, %reduce_sum3A_184 [1] : vector<16x128xf32> to vector<16xf32>
    %broadcast_in_dim3A_186 = vector.shape_cast %reduce_sum3A_185 : vector<16xf32> to vector<16x1xf32>
    %dot_general3A_187 = arith.constant dense<0.000000e+00> : vector<16x1xf32>
    %dot_general3A_188 = tpu.matmul %convert_element_type3A_84, %broadcast_in_dim3A_186, %dot_general3A_187 {dimension_numbers = #tpu.dot_dimension_numbers<[1], [0], [0], [1], [0, 0, 1, 1], [], []>, transpose_lhs_hint = false} : vector<16x16xf32>, vector<16x1xf32>, vector<16x1xf32> -> vector<16x1xf32>
    %sub3A_189 = arith.constant 1.000000e+00 : f32
    %sub3A_190 = vector.broadcast %sub3A_189 : f32 to vector<16x128xf32>
    %sub3A_191 = arith.subf %dot_general3A_183, %sub3A_190 : vector<16x128xf32>
    %add3A_192 = vector.broadcast %dot_general3A_188 : vector<16x1xf32> to vector<16x128xf32>
    %add3A_193 = arith.addf %sub3A_191, %add3A_192 : vector<16x128xf32>
    %convert_element_type3A_194 = arith.sitofp %add3A_176 : vector<1x1xi32> to vector<1x1xf32>
    %add3A_195 = vector.broadcast %convert_element_type3A_194 : vector<1x1xf32> to vector<16x128xf32>
    %add3A_196 = arith.addf %add3A_195, %add3A_193 : vector<16x128xf32>
    %mul3A_197 = arith.mulf %convert_element_type3A_181, %add3A_196 : vector<16x128xf32>
    %add3A_198 = arith.addf %add3A_116, %mul3A_197 : vector<16x128xf32>
    %reduce_sum3A_199 = vector.shape_cast %convert_element_type3A_181 : vector<16x128xf32> to vector<1x16x128xf32>
    %reduce_sum3A_200 = arith.constant dense<0.000000e+00> : vector<1xf32>
    %reduce_sum3A_201 = vector.multi_reduction <add>, %reduce_sum3A_199, %reduce_sum3A_200 [1, 2] : vector<1x16x128xf32> to vector<1xf32>
    %reduce_sum3A_202 = vector.shape_cast %reduce_sum3A_201 : vector<1xf32> to vector<1x1x1xf32>
    %reduce_sum3A_203 = vector.extract %reduce_sum3A_202[0, 0, 0] : f32 from vector<1x1x1xf32>
    %broadcast_in_dim3A_204 = vector.broadcast %reduce_sum3A_203 : f32 to vector<1x1xf32>
    %convert_element_type3A_205 = arith.fptosi %broadcast_in_dim3A_204 : vector<1x1xf32> to vector<1x1xi32>
    %add3A_206 = arith.constant 128 : i32
    %add3A_207 = vector.broadcast %add3A_206 : i32 to vector<1x1xi32>
    %add3A_208 = arith.addi %convert_element_type3A_205, %add3A_207 : vector<1x1xi32>
    %sub3A_209 = arith.constant 1 : i32
    %sub3A_210 = vector.broadcast %sub3A_209 : i32 to vector<1x1xi32>
    %sub3A_211 = arith.subi %add3A_208, %sub3A_210 : vector<1x1xi32>
    %jit3A_212 = arith.constant 128 : i32
    %div3A_213 = vector.broadcast %jit3A_212 : i32 to vector<1x1xi32>
    %div3A_214 = arith.divsi %sub3A_211, %div3A_213 : vector<1x1xi32>
    %sign3A_215 = arith.constant 0 : i32
    %sign3A_216 = vector.broadcast %sign3A_215 : i32 to vector<1x1xi32>
    %sign3A_217 = arith.cmpi sgt, %sub3A_211, %sign3A_216 : vector<1x1xi32>
    %sign3A_218 = arith.extui %sign3A_217 : vector<1x1xi1> to vector<1x1xi32>
    %sign3A_219 = arith.constant 0 : i32
    %sign3A_220 = vector.broadcast %sign3A_219 : i32 to vector<1x1xi32>
    %sign3A_221 = arith.cmpi slt, %sub3A_211, %sign3A_220 : vector<1x1xi32>
    %sign3A_222 = arith.extui %sign3A_221 : vector<1x1xi1> to vector<1x1xi32>
    %sign3A_223 = arith.subi %sign3A_218, %sign3A_222 : vector<1x1xi32>
    %sign3A_224 = arith.constant 0 : i32
    %sign3A_225 = arith.cmpi sgt, %jit3A_212, %sign3A_224 : i32
    %sign3A_226 = arith.extui %sign3A_225 : i1 to i32
    %sign3A_227 = arith.constant 0 : i32
    %sign3A_228 = arith.cmpi slt, %jit3A_212, %sign3A_227 : i32
    %sign3A_229 = arith.extui %sign3A_228 : i1 to i32
    %sign3A_230 = arith.subi %sign3A_226, %sign3A_229 : i32
    %ne3A_231 = vector.broadcast %sign3A_230 : i32 to vector<1x1xi32>
    %ne3A_232 = arith.cmpi ne, %sign3A_223, %ne3A_231 : vector<1x1xi32>
    %rem3A_233 = vector.broadcast %jit3A_212 : i32 to vector<1x1xi32>
    %rem3A_234 = arith.remsi %sub3A_211, %rem3A_233 : vector<1x1xi32>
    %ne3A_235 = arith.constant 0 : i32
    %ne3A_236 = vector.broadcast %ne3A_235 : i32 to vector<1x1xi32>
    %ne3A_237 = arith.cmpi ne, %rem3A_234, %ne3A_236 : vector<1x1xi32>
    %and3A_238 = arith.andi %ne3A_232, %ne3A_237 : vector<1x1xi1>
    %sub3A_239 = arith.constant 1 : i32
    %sub3A_240 = vector.broadcast %sub3A_239 : i32 to vector<1x1xi32>
    %sub3A_241 = arith.subi %div3A_214, %sub3A_240 : vector<1x1xi32>
    %select_n3A_242 = arith.select %and3A_238, %sub3A_241, %div3A_214 : vector<1x1xi1>, vector<1x1xi32>
    %gt3A_243 = arith.constant 0 : i32
    %gt3A_244 = vector.broadcast %gt3A_243 : i32 to vector<1x1xi32>
    %gt3A_245 = arith.cmpi sgt, %convert_element_type3A_205, %gt3A_244 : vector<1x1xi32>
    %jit3A_246 = arith.constant 1 : i32
    %broadcast_in_dim3A_247 = vector.broadcast %jit3A_246 : i32 to vector<1x1xi32>
    %select_n3A_248 = arith.select %gt3A_245, %broadcast_in_dim3A_247, %select_n3A_161 : vector<1x1xi1>, vector<1x1xi32>
    %add3A_249 = arith.addi %add3A_162, %select_n3A_242 : vector<1x1xi32>
    %ge3A_250 = vector.broadcast %add3A_249 : vector<1x1xi32> to vector<1x24xi32>
    %ge3A_251 = arith.cmpi sge, %iota3A_85, %ge3A_250 : vector<1x24xi32>
    %convert_element_type3A_252 = arith.extui %ge3A_251 : vector<1x24xi1> to vector<1x24xi32>
    %add3A_253 = arith.addi %add3A_165, %convert_element_type3A_252 : vector<1x24xi32>
    %eq3A_254 = arith.constant 2 : i32
    %eq3A_255 = vector.broadcast %eq3A_254 : i32 to vector<1x9xi32>
    %eq3A_256 = arith.cmpi eq, %iota3A_86, %eq3A_255 : vector<1x9xi32>
    %convert_element_type3A_257 = arith.extui %eq3A_256 : vector<1x9xi1> to vector<1x9xi32>
    %mul3A_258 = vector.broadcast %add3A_249 : vector<1x1xi32> to vector<1x9xi32>
    %mul3A_259 = arith.muli %convert_element_type3A_257, %mul3A_258 : vector<1x9xi32>
    %add3A_260 = arith.addi %add3A_172, %mul3A_259 : vector<1x9xi32>
    %mul3A_261 = arith.constant 128 : i32
    %mul3A_262 = vector.broadcast %mul3A_261 : i32 to vector<1x1xi32>
    %mul3A_263 = arith.muli %select_n3A_242, %mul3A_262 : vector<1x1xi32>
    %add3A_264 = arith.addi %add3A_176, %mul3A_263 : vector<1x1xi32>
    %eq3A_265 = arith.constant 2 : i32
    %eq3A_266 = vector.broadcast %eq3A_265 : i32 to vector<16x128xi32>
    %eq3A_267 = arith.cmpi eq, %select_n3A_70, %eq3A_266 : vector<16x128xi32>
    %convert_element_type3A_268 = arith.extui %eq3A_267 : vector<16x128xi1> to vector<16x128xi32>
    %convert_element_type3A_269 = arith.sitofp %convert_element_type3A_268 : vector<16x128xi32> to vector<16x128xf32>
    %dot_general3A_270 = arith.constant dense<0.000000e+00> : vector<16x128xf32>
    %dot_general3A_271 = tpu.matmul %convert_element_type3A_269, %convert_element_type3A_80, %dot_general3A_270 {dimension_numbers = #tpu.dot_dimension_numbers<[1], [0], [0], [1], [0, 0, 1, 1], [], []>, transpose_lhs_hint = false} : vector<16x128xf32>, vector<128x128xf32>, vector<16x128xf32> -> vector<16x128xf32>
    %reduce_sum3A_272 = arith.constant dense<0.000000e+00> : vector<16xf32>
    %reduce_sum3A_273 = vector.multi_reduction <add>, %convert_element_type3A_269, %reduce_sum3A_272 [1] : vector<16x128xf32> to vector<16xf32>
    %broadcast_in_dim3A_274 = vector.shape_cast %reduce_sum3A_273 : vector<16xf32> to vector<16x1xf32>
    %dot_general3A_275 = arith.constant dense<0.000000e+00> : vector<16x1xf32>
    %dot_general3A_276 = tpu.matmul %convert_element_type3A_84, %broadcast_in_dim3A_274, %dot_general3A_275 {dimension_numbers = #tpu.dot_dimension_numbers<[1], [0], [0], [1], [0, 0, 1, 1], [], []>, transpose_lhs_hint = false} : vector<16x16xf32>, vector<16x1xf32>, vector<16x1xf32> -> vector<16x1xf32>
    %sub3A_277 = arith.constant 1.000000e+00 : f32
    %sub3A_278 = vector.broadcast %sub3A_277 : f32 to vector<16x128xf32>
    %sub3A_279 = arith.subf %dot_general3A_271, %sub3A_278 : vector<16x128xf32>
    %add3A_280 = vector.broadcast %dot_general3A_276 : vector<16x1xf32> to vector<16x128xf32>
    %add3A_281 = arith.addf %sub3A_279, %add3A_280 : vector<16x128xf32>
    %convert_element_type3A_282 = arith.sitofp %add3A_264 : vector<1x1xi32> to vector<1x1xf32>
    %add3A_283 = vector.broadcast %convert_element_type3A_282 : vector<1x1xf32> to vector<16x128xf32>
    %add3A_284 = arith.addf %add3A_283, %add3A_281 : vector<16x128xf32>
    %mul3A_285 = arith.mulf %convert_element_type3A_269, %add3A_284 : vector<16x128xf32>
    %add3A_286 = arith.addf %add3A_198, %mul3A_285 : vector<16x128xf32>
    %reduce_sum3A_287 = vector.shape_cast %convert_element_type3A_269 : vector<16x128xf32> to vector<1x16x128xf32>
    %reduce_sum3A_288 = arith.constant dense<0.000000e+00> : vector<1xf32>
    %reduce_sum3A_289 = vector.multi_reduction <add>, %reduce_sum3A_287, %reduce_sum3A_288 [1, 2] : vector<1x16x128xf32> to vector<1xf32>
    %reduce_sum3A_290 = vector.shape_cast %reduce_sum3A_289 : vector<1xf32> to vector<1x1x1xf32>
    %reduce_sum3A_291 = vector.extract %reduce_sum3A_290[0, 0, 0] : f32 from vector<1x1x1xf32>
    %broadcast_in_dim3A_292 = vector.broadcast %reduce_sum3A_291 : f32 to vector<1x1xf32>
    %convert_element_type3A_293 = arith.fptosi %broadcast_in_dim3A_292 : vector<1x1xf32> to vector<1x1xi32>
    %add3A_294 = arith.constant 128 : i32
    %add3A_295 = vector.broadcast %add3A_294 : i32 to vector<1x1xi32>
    %add3A_296 = arith.addi %convert_element_type3A_293, %add3A_295 : vector<1x1xi32>
    %sub3A_297 = arith.constant 1 : i32
    %sub3A_298 = vector.broadcast %sub3A_297 : i32 to vector<1x1xi32>
    %sub3A_299 = arith.subi %add3A_296, %sub3A_298 : vector<1x1xi32>
    %jit3A_300 = arith.constant 128 : i32
    %div3A_301 = vector.broadcast %jit3A_300 : i32 to vector<1x1xi32>
    %div3A_302 = arith.divsi %sub3A_299, %div3A_301 : vector<1x1xi32>
    %sign3A_303 = arith.constant 0 : i32
    %sign3A_304 = vector.broadcast %sign3A_303 : i32 to vector<1x1xi32>
    %sign3A_305 = arith.cmpi sgt, %sub3A_299, %sign3A_304 : vector<1x1xi32>
    %sign3A_306 = arith.extui %sign3A_305 : vector<1x1xi1> to vector<1x1xi32>
    %sign3A_307 = arith.constant 0 : i32
    %sign3A_308 = vector.broadcast %sign3A_307 : i32 to vector<1x1xi32>
    %sign3A_309 = arith.cmpi slt, %sub3A_299, %sign3A_308 : vector<1x1xi32>
    %sign3A_310 = arith.extui %sign3A_309 : vector<1x1xi1> to vector<1x1xi32>
    %sign3A_311 = arith.subi %sign3A_306, %sign3A_310 : vector<1x1xi32>
    %sign3A_312 = arith.constant 0 : i32
    %sign3A_313 = arith.cmpi sgt, %jit3A_300, %sign3A_312 : i32
    %sign3A_314 = arith.extui %sign3A_313 : i1 to i32
    %sign3A_315 = arith.constant 0 : i32
    %sign3A_316 = arith.cmpi slt, %jit3A_300, %sign3A_315 : i32
    %sign3A_317 = arith.extui %sign3A_316 : i1 to i32
    %sign3A_318 = arith.subi %sign3A_314, %sign3A_317 : i32
    %ne3A_319 = vector.broadcast %sign3A_318 : i32 to vector<1x1xi32>
    %ne3A_320 = arith.cmpi ne, %sign3A_311, %ne3A_319 : vector<1x1xi32>
    %rem3A_321 = vector.broadcast %jit3A_300 : i32 to vector<1x1xi32>
    %rem3A_322 = arith.remsi %sub3A_299, %rem3A_321 : vector<1x1xi32>
    %ne3A_323 = arith.constant 0 : i32
    %ne3A_324 = vector.broadcast %ne3A_323 : i32 to vector<1x1xi32>
    %ne3A_325 = arith.cmpi ne, %rem3A_322, %ne3A_324 : vector<1x1xi32>
    %and3A_326 = arith.andi %ne3A_320, %ne3A_325 : vector<1x1xi1>
    %sub3A_327 = arith.constant 1 : i32
    %sub3A_328 = vector.broadcast %sub3A_327 : i32 to vector<1x1xi32>
    %sub3A_329 = arith.subi %div3A_302, %sub3A_328 : vector<1x1xi32>
    %select_n3A_330 = arith.select %and3A_326, %sub3A_329, %div3A_302 : vector<1x1xi1>, vector<1x1xi32>
    %gt3A_331 = arith.constant 0 : i32
    %gt3A_332 = vector.broadcast %gt3A_331 : i32 to vector<1x1xi32>
    %gt3A_333 = arith.cmpi sgt, %convert_element_type3A_293, %gt3A_332 : vector<1x1xi32>
    %jit3A_334 = arith.constant 2 : i32
    %broadcast_in_dim3A_335 = vector.broadcast %jit3A_334 : i32 to vector<1x1xi32>
    %select_n3A_336 = arith.select %gt3A_333, %broadcast_in_dim3A_335, %select_n3A_248 : vector<1x1xi1>, vector<1x1xi32>
    %add3A_337 = arith.addi %add3A_249, %select_n3A_330 : vector<1x1xi32>
    %ge3A_338 = vector.broadcast %add3A_337 : vector<1x1xi32> to vector<1x24xi32>
    %ge3A_339 = arith.cmpi sge, %iota3A_85, %ge3A_338 : vector<1x24xi32>
    %convert_element_type3A_340 = arith.extui %ge3A_339 : vector<1x24xi1> to vector<1x24xi32>
    %add3A_341 = arith.addi %add3A_253, %convert_element_type3A_340 : vector<1x24xi32>
    %eq3A_342 = arith.constant 3 : i32
    %eq3A_343 = vector.broadcast %eq3A_342 : i32 to vector<1x9xi32>
    %eq3A_344 = arith.cmpi eq, %iota3A_86, %eq3A_343 : vector<1x9xi32>
    %convert_element_type3A_345 = arith.extui %eq3A_344 : vector<1x9xi1> to vector<1x9xi32>
    %mul3A_346 = vector.broadcast %add3A_337 : vector<1x1xi32> to vector<1x9xi32>
    %mul3A_347 = arith.muli %convert_element_type3A_345, %mul3A_346 : vector<1x9xi32>
    %add3A_348 = arith.addi %add3A_260, %mul3A_347 : vector<1x9xi32>
    %mul3A_349 = arith.constant 128 : i32
    %mul3A_350 = vector.broadcast %mul3A_349 : i32 to vector<1x1xi32>
    %mul3A_351 = arith.muli %select_n3A_330, %mul3A_350 : vector<1x1xi32>
    %add3A_352 = arith.addi %add3A_264, %mul3A_351 : vector<1x1xi32>
    %eq3A_353 = arith.constant 3 : i32
    %eq3A_354 = vector.broadcast %eq3A_353 : i32 to vector<16x128xi32>
    %eq3A_355 = arith.cmpi eq, %select_n3A_70, %eq3A_354 : vector<16x128xi32>
    %convert_element_type3A_356 = arith.extui %eq3A_355 : vector<16x128xi1> to vector<16x128xi32>
    %convert_element_type3A_357 = arith.sitofp %convert_element_type3A_356 : vector<16x128xi32> to vector<16x128xf32>
    %dot_general3A_358 = arith.constant dense<0.000000e+00> : vector<16x128xf32>
    %dot_general3A_359 = tpu.matmul %convert_element_type3A_357, %convert_element_type3A_80, %dot_general3A_358 {dimension_numbers = #tpu.dot_dimension_numbers<[1], [0], [0], [1], [0, 0, 1, 1], [], []>, transpose_lhs_hint = false} : vector<16x128xf32>, vector<128x128xf32>, vector<16x128xf32> -> vector<16x128xf32>
    %reduce_sum3A_360 = arith.constant dense<0.000000e+00> : vector<16xf32>
    %reduce_sum3A_361 = vector.multi_reduction <add>, %convert_element_type3A_357, %reduce_sum3A_360 [1] : vector<16x128xf32> to vector<16xf32>
    %broadcast_in_dim3A_362 = vector.shape_cast %reduce_sum3A_361 : vector<16xf32> to vector<16x1xf32>
    %dot_general3A_363 = arith.constant dense<0.000000e+00> : vector<16x1xf32>
    %dot_general3A_364 = tpu.matmul %convert_element_type3A_84, %broadcast_in_dim3A_362, %dot_general3A_363 {dimension_numbers = #tpu.dot_dimension_numbers<[1], [0], [0], [1], [0, 0, 1, 1], [], []>, transpose_lhs_hint = false} : vector<16x16xf32>, vector<16x1xf32>, vector<16x1xf32> -> vector<16x1xf32>
    %sub3A_365 = arith.constant 1.000000e+00 : f32
    %sub3A_366 = vector.broadcast %sub3A_365 : f32 to vector<16x128xf32>
    %sub3A_367 = arith.subf %dot_general3A_359, %sub3A_366 : vector<16x128xf32>
    %add3A_368 = vector.broadcast %dot_general3A_364 : vector<16x1xf32> to vector<16x128xf32>
    %add3A_369 = arith.addf %sub3A_367, %add3A_368 : vector<16x128xf32>
    %convert_element_type3A_370 = arith.sitofp %add3A_352 : vector<1x1xi32> to vector<1x1xf32>
    %add3A_371 = vector.broadcast %convert_element_type3A_370 : vector<1x1xf32> to vector<16x128xf32>
    %add3A_372 = arith.addf %add3A_371, %add3A_369 : vector<16x128xf32>
    %mul3A_373 = arith.mulf %convert_element_type3A_357, %add3A_372 : vector<16x128xf32>
    %add3A_374 = arith.addf %add3A_286, %mul3A_373 : vector<16x128xf32>
    %reduce_sum3A_375 = vector.shape_cast %convert_element_type3A_357 : vector<16x128xf32> to vector<1x16x128xf32>
    %reduce_sum3A_376 = arith.constant dense<0.000000e+00> : vector<1xf32>
    %reduce_sum3A_377 = vector.multi_reduction <add>, %reduce_sum3A_375, %reduce_sum3A_376 [1, 2] : vector<1x16x128xf32> to vector<1xf32>
    %reduce_sum3A_378 = vector.shape_cast %reduce_sum3A_377 : vector<1xf32> to vector<1x1x1xf32>
    %reduce_sum3A_379 = vector.extract %reduce_sum3A_378[0, 0, 0] : f32 from vector<1x1x1xf32>
    %broadcast_in_dim3A_380 = vector.broadcast %reduce_sum3A_379 : f32 to vector<1x1xf32>
    %convert_element_type3A_381 = arith.fptosi %broadcast_in_dim3A_380 : vector<1x1xf32> to vector<1x1xi32>
    %add3A_382 = arith.constant 128 : i32
    %add3A_383 = vector.broadcast %add3A_382 : i32 to vector<1x1xi32>
    %add3A_384 = arith.addi %convert_element_type3A_381, %add3A_383 : vector<1x1xi32>
    %sub3A_385 = arith.constant 1 : i32
    %sub3A_386 = vector.broadcast %sub3A_385 : i32 to vector<1x1xi32>
    %sub3A_387 = arith.subi %add3A_384, %sub3A_386 : vector<1x1xi32>
    %jit3A_388 = arith.constant 128 : i32
    %div3A_389 = vector.broadcast %jit3A_388 : i32 to vector<1x1xi32>
    %div3A_390 = arith.divsi %sub3A_387, %div3A_389 : vector<1x1xi32>
    %sign3A_391 = arith.constant 0 : i32
    %sign3A_392 = vector.broadcast %sign3A_391 : i32 to vector<1x1xi32>
    %sign3A_393 = arith.cmpi sgt, %sub3A_387, %sign3A_392 : vector<1x1xi32>
    %sign3A_394 = arith.extui %sign3A_393 : vector<1x1xi1> to vector<1x1xi32>
    %sign3A_395 = arith.constant 0 : i32
    %sign3A_396 = vector.broadcast %sign3A_395 : i32 to vector<1x1xi32>
    %sign3A_397 = arith.cmpi slt, %sub3A_387, %sign3A_396 : vector<1x1xi32>
    %sign3A_398 = arith.extui %sign3A_397 : vector<1x1xi1> to vector<1x1xi32>
    %sign3A_399 = arith.subi %sign3A_394, %sign3A_398 : vector<1x1xi32>
    %sign3A_400 = arith.constant 0 : i32
    %sign3A_401 = arith.cmpi sgt, %jit3A_388, %sign3A_400 : i32
    %sign3A_402 = arith.extui %sign3A_401 : i1 to i32
    %sign3A_403 = arith.constant 0 : i32
    %sign3A_404 = arith.cmpi slt, %jit3A_388, %sign3A_403 : i32
    %sign3A_405 = arith.extui %sign3A_404 : i1 to i32
    %sign3A_406 = arith.subi %sign3A_402, %sign3A_405 : i32
    %ne3A_407 = vector.broadcast %sign3A_406 : i32 to vector<1x1xi32>
    %ne3A_408 = arith.cmpi ne, %sign3A_399, %ne3A_407 : vector<1x1xi32>
    %rem3A_409 = vector.broadcast %jit3A_388 : i32 to vector<1x1xi32>
    %rem3A_410 = arith.remsi %sub3A_387, %rem3A_409 : vector<1x1xi32>
    %ne3A_411 = arith.constant 0 : i32
    %ne3A_412 = vector.broadcast %ne3A_411 : i32 to vector<1x1xi32>
    %ne3A_413 = arith.cmpi ne, %rem3A_410, %ne3A_412 : vector<1x1xi32>
    %and3A_414 = arith.andi %ne3A_408, %ne3A_413 : vector<1x1xi1>
    %sub3A_415 = arith.constant 1 : i32
    %sub3A_416 = vector.broadcast %sub3A_415 : i32 to vector<1x1xi32>
    %sub3A_417 = arith.subi %div3A_390, %sub3A_416 : vector<1x1xi32>
    %select_n3A_418 = arith.select %and3A_414, %sub3A_417, %div3A_390 : vector<1x1xi1>, vector<1x1xi32>
    %gt3A_419 = arith.constant 0 : i32
    %gt3A_420 = vector.broadcast %gt3A_419 : i32 to vector<1x1xi32>
    %gt3A_421 = arith.cmpi sgt, %convert_element_type3A_381, %gt3A_420 : vector<1x1xi32>
    %jit3A_422 = arith.constant 3 : i32
    %broadcast_in_dim3A_423 = vector.broadcast %jit3A_422 : i32 to vector<1x1xi32>
    %select_n3A_424 = arith.select %gt3A_421, %broadcast_in_dim3A_423, %select_n3A_336 : vector<1x1xi1>, vector<1x1xi32>
    %add3A_425 = arith.addi %add3A_337, %select_n3A_418 : vector<1x1xi32>
    %ge3A_426 = vector.broadcast %add3A_425 : vector<1x1xi32> to vector<1x24xi32>
    %ge3A_427 = arith.cmpi sge, %iota3A_85, %ge3A_426 : vector<1x24xi32>
    %convert_element_type3A_428 = arith.extui %ge3A_427 : vector<1x24xi1> to vector<1x24xi32>
    %add3A_429 = arith.addi %add3A_341, %convert_element_type3A_428 : vector<1x24xi32>
    %eq3A_430 = arith.constant 4 : i32
    %eq3A_431 = vector.broadcast %eq3A_430 : i32 to vector<1x9xi32>
    %eq3A_432 = arith.cmpi eq, %iota3A_86, %eq3A_431 : vector<1x9xi32>
    %convert_element_type3A_433 = arith.extui %eq3A_432 : vector<1x9xi1> to vector<1x9xi32>
    %mul3A_434 = vector.broadcast %add3A_425 : vector<1x1xi32> to vector<1x9xi32>
    %mul3A_435 = arith.muli %convert_element_type3A_433, %mul3A_434 : vector<1x9xi32>
    %add3A_436 = arith.addi %add3A_348, %mul3A_435 : vector<1x9xi32>
    %mul3A_437 = arith.constant 128 : i32
    %mul3A_438 = vector.broadcast %mul3A_437 : i32 to vector<1x1xi32>
    %mul3A_439 = arith.muli %select_n3A_418, %mul3A_438 : vector<1x1xi32>
    %add3A_440 = arith.addi %add3A_352, %mul3A_439 : vector<1x1xi32>
    %eq3A_441 = arith.constant 4 : i32
    %eq3A_442 = vector.broadcast %eq3A_441 : i32 to vector<16x128xi32>
    %eq3A_443 = arith.cmpi eq, %select_n3A_70, %eq3A_442 : vector<16x128xi32>
    %convert_element_type3A_444 = arith.extui %eq3A_443 : vector<16x128xi1> to vector<16x128xi32>
    %convert_element_type3A_445 = arith.sitofp %convert_element_type3A_444 : vector<16x128xi32> to vector<16x128xf32>
    %dot_general3A_446 = arith.constant dense<0.000000e+00> : vector<16x128xf32>
    %dot_general3A_447 = tpu.matmul %convert_element_type3A_445, %convert_element_type3A_80, %dot_general3A_446 {dimension_numbers = #tpu.dot_dimension_numbers<[1], [0], [0], [1], [0, 0, 1, 1], [], []>, transpose_lhs_hint = false} : vector<16x128xf32>, vector<128x128xf32>, vector<16x128xf32> -> vector<16x128xf32>
    %reduce_sum3A_448 = arith.constant dense<0.000000e+00> : vector<16xf32>
    %reduce_sum3A_449 = vector.multi_reduction <add>, %convert_element_type3A_445, %reduce_sum3A_448 [1] : vector<16x128xf32> to vector<16xf32>
    %broadcast_in_dim3A_450 = vector.shape_cast %reduce_sum3A_449 : vector<16xf32> to vector<16x1xf32>
    %dot_general3A_451 = arith.constant dense<0.000000e+00> : vector<16x1xf32>
    %dot_general3A_452 = tpu.matmul %convert_element_type3A_84, %broadcast_in_dim3A_450, %dot_general3A_451 {dimension_numbers = #tpu.dot_dimension_numbers<[1], [0], [0], [1], [0, 0, 1, 1], [], []>, transpose_lhs_hint = false} : vector<16x16xf32>, vector<16x1xf32>, vector<16x1xf32> -> vector<16x1xf32>
    %sub3A_453 = arith.constant 1.000000e+00 : f32
    %sub3A_454 = vector.broadcast %sub3A_453 : f32 to vector<16x128xf32>
    %sub3A_455 = arith.subf %dot_general3A_447, %sub3A_454 : vector<16x128xf32>
    %add3A_456 = vector.broadcast %dot_general3A_452 : vector<16x1xf32> to vector<16x128xf32>
    %add3A_457 = arith.addf %sub3A_455, %add3A_456 : vector<16x128xf32>
    %convert_element_type3A_458 = arith.sitofp %add3A_440 : vector<1x1xi32> to vector<1x1xf32>
    %add3A_459 = vector.broadcast %convert_element_type3A_458 : vector<1x1xf32> to vector<16x128xf32>
    %add3A_460 = arith.addf %add3A_459, %add3A_457 : vector<16x128xf32>
    %mul3A_461 = arith.mulf %convert_element_type3A_445, %add3A_460 : vector<16x128xf32>
    %add3A_462 = arith.addf %add3A_374, %mul3A_461 : vector<16x128xf32>
    %reduce_sum3A_463 = vector.shape_cast %convert_element_type3A_445 : vector<16x128xf32> to vector<1x16x128xf32>
    %reduce_sum3A_464 = arith.constant dense<0.000000e+00> : vector<1xf32>
    %reduce_sum3A_465 = vector.multi_reduction <add>, %reduce_sum3A_463, %reduce_sum3A_464 [1, 2] : vector<1x16x128xf32> to vector<1xf32>
    %reduce_sum3A_466 = vector.shape_cast %reduce_sum3A_465 : vector<1xf32> to vector<1x1x1xf32>
    %reduce_sum3A_467 = vector.extract %reduce_sum3A_466[0, 0, 0] : f32 from vector<1x1x1xf32>
    %broadcast_in_dim3A_468 = vector.broadcast %reduce_sum3A_467 : f32 to vector<1x1xf32>
    %convert_element_type3A_469 = arith.fptosi %broadcast_in_dim3A_468 : vector<1x1xf32> to vector<1x1xi32>
    %add3A_470 = arith.constant 128 : i32
    %add3A_471 = vector.broadcast %add3A_470 : i32 to vector<1x1xi32>
    %add3A_472 = arith.addi %convert_element_type3A_469, %add3A_471 : vector<1x1xi32>
    %sub3A_473 = arith.constant 1 : i32
    %sub3A_474 = vector.broadcast %sub3A_473 : i32 to vector<1x1xi32>
    %sub3A_475 = arith.subi %add3A_472, %sub3A_474 : vector<1x1xi32>
    %jit3A_476 = arith.constant 128 : i32
    %div3A_477 = vector.broadcast %jit3A_476 : i32 to vector<1x1xi32>
    %div3A_478 = arith.divsi %sub3A_475, %div3A_477 : vector<1x1xi32>
    %sign3A_479 = arith.constant 0 : i32
    %sign3A_480 = vector.broadcast %sign3A_479 : i32 to vector<1x1xi32>
    %sign3A_481 = arith.cmpi sgt, %sub3A_475, %sign3A_480 : vector<1x1xi32>
    %sign3A_482 = arith.extui %sign3A_481 : vector<1x1xi1> to vector<1x1xi32>
    %sign3A_483 = arith.constant 0 : i32
    %sign3A_484 = vector.broadcast %sign3A_483 : i32 to vector<1x1xi32>
    %sign3A_485 = arith.cmpi slt, %sub3A_475, %sign3A_484 : vector<1x1xi32>
    %sign3A_486 = arith.extui %sign3A_485 : vector<1x1xi1> to vector<1x1xi32>
    %sign3A_487 = arith.subi %sign3A_482, %sign3A_486 : vector<1x1xi32>
    %sign3A_488 = arith.constant 0 : i32
    %sign3A_489 = arith.cmpi sgt, %jit3A_476, %sign3A_488 : i32
    %sign3A_490 = arith.extui %sign3A_489 : i1 to i32
    %sign3A_491 = arith.constant 0 : i32
    %sign3A_492 = arith.cmpi slt, %jit3A_476, %sign3A_491 : i32
    %sign3A_493 = arith.extui %sign3A_492 : i1 to i32
    %sign3A_494 = arith.subi %sign3A_490, %sign3A_493 : i32
    %ne3A_495 = vector.broadcast %sign3A_494 : i32 to vector<1x1xi32>
    %ne3A_496 = arith.cmpi ne, %sign3A_487, %ne3A_495 : vector<1x1xi32>
    %rem3A_497 = vector.broadcast %jit3A_476 : i32 to vector<1x1xi32>
    %rem3A_498 = arith.remsi %sub3A_475, %rem3A_497 : vector<1x1xi32>
    %ne3A_499 = arith.constant 0 : i32
    %ne3A_500 = vector.broadcast %ne3A_499 : i32 to vector<1x1xi32>
    %ne3A_501 = arith.cmpi ne, %rem3A_498, %ne3A_500 : vector<1x1xi32>
    %and3A_502 = arith.andi %ne3A_496, %ne3A_501 : vector<1x1xi1>
    %sub3A_503 = arith.constant 1 : i32
    %sub3A_504 = vector.broadcast %sub3A_503 : i32 to vector<1x1xi32>
    %sub3A_505 = arith.subi %div3A_478, %sub3A_504 : vector<1x1xi32>
    %select_n3A_506 = arith.select %and3A_502, %sub3A_505, %div3A_478 : vector<1x1xi1>, vector<1x1xi32>
    %gt3A_507 = arith.constant 0 : i32
    %gt3A_508 = vector.broadcast %gt3A_507 : i32 to vector<1x1xi32>
    %gt3A_509 = arith.cmpi sgt, %convert_element_type3A_469, %gt3A_508 : vector<1x1xi32>
    %jit3A_510 = arith.constant 4 : i32
    %broadcast_in_dim3A_511 = vector.broadcast %jit3A_510 : i32 to vector<1x1xi32>
    %select_n3A_512 = arith.select %gt3A_509, %broadcast_in_dim3A_511, %select_n3A_424 : vector<1x1xi1>, vector<1x1xi32>
    %add3A_513 = arith.addi %add3A_425, %select_n3A_506 : vector<1x1xi32>
    %ge3A_514 = vector.broadcast %add3A_513 : vector<1x1xi32> to vector<1x24xi32>
    %ge3A_515 = arith.cmpi sge, %iota3A_85, %ge3A_514 : vector<1x24xi32>
    %convert_element_type3A_516 = arith.extui %ge3A_515 : vector<1x24xi1> to vector<1x24xi32>
    %add3A_517 = arith.addi %add3A_429, %convert_element_type3A_516 : vector<1x24xi32>
    %eq3A_518 = arith.constant 5 : i32
    %eq3A_519 = vector.broadcast %eq3A_518 : i32 to vector<1x9xi32>
    %eq3A_520 = arith.cmpi eq, %iota3A_86, %eq3A_519 : vector<1x9xi32>
    %convert_element_type3A_521 = arith.extui %eq3A_520 : vector<1x9xi1> to vector<1x9xi32>
    %mul3A_522 = vector.broadcast %add3A_513 : vector<1x1xi32> to vector<1x9xi32>
    %mul3A_523 = arith.muli %convert_element_type3A_521, %mul3A_522 : vector<1x9xi32>
    %add3A_524 = arith.addi %add3A_436, %mul3A_523 : vector<1x9xi32>
    %mul3A_525 = arith.constant 128 : i32
    %mul3A_526 = vector.broadcast %mul3A_525 : i32 to vector<1x1xi32>
    %mul3A_527 = arith.muli %select_n3A_506, %mul3A_526 : vector<1x1xi32>
    %add3A_528 = arith.addi %add3A_440, %mul3A_527 : vector<1x1xi32>
    %eq3A_529 = arith.constant 5 : i32
    %eq3A_530 = vector.broadcast %eq3A_529 : i32 to vector<16x128xi32>
    %eq3A_531 = arith.cmpi eq, %select_n3A_70, %eq3A_530 : vector<16x128xi32>
    %convert_element_type3A_532 = arith.extui %eq3A_531 : vector<16x128xi1> to vector<16x128xi32>
    %convert_element_type3A_533 = arith.sitofp %convert_element_type3A_532 : vector<16x128xi32> to vector<16x128xf32>
    %dot_general3A_534 = arith.constant dense<0.000000e+00> : vector<16x128xf32>
    %dot_general3A_535 = tpu.matmul %convert_element_type3A_533, %convert_element_type3A_80, %dot_general3A_534 {dimension_numbers = #tpu.dot_dimension_numbers<[1], [0], [0], [1], [0, 0, 1, 1], [], []>, transpose_lhs_hint = false} : vector<16x128xf32>, vector<128x128xf32>, vector<16x128xf32> -> vector<16x128xf32>
    %reduce_sum3A_536 = arith.constant dense<0.000000e+00> : vector<16xf32>
    %reduce_sum3A_537 = vector.multi_reduction <add>, %convert_element_type3A_533, %reduce_sum3A_536 [1] : vector<16x128xf32> to vector<16xf32>
    %broadcast_in_dim3A_538 = vector.shape_cast %reduce_sum3A_537 : vector<16xf32> to vector<16x1xf32>
    %dot_general3A_539 = arith.constant dense<0.000000e+00> : vector<16x1xf32>
    %dot_general3A_540 = tpu.matmul %convert_element_type3A_84, %broadcast_in_dim3A_538, %dot_general3A_539 {dimension_numbers = #tpu.dot_dimension_numbers<[1], [0], [0], [1], [0, 0, 1, 1], [], []>, transpose_lhs_hint = false} : vector<16x16xf32>, vector<16x1xf32>, vector<16x1xf32> -> vector<16x1xf32>
    %sub3A_541 = arith.constant 1.000000e+00 : f32
    %sub3A_542 = vector.broadcast %sub3A_541 : f32 to vector<16x128xf32>
    %sub3A_543 = arith.subf %dot_general3A_535, %sub3A_542 : vector<16x128xf32>
    %add3A_544 = vector.broadcast %dot_general3A_540 : vector<16x1xf32> to vector<16x128xf32>
    %add3A_545 = arith.addf %sub3A_543, %add3A_544 : vector<16x128xf32>
    %convert_element_type3A_546 = arith.sitofp %add3A_528 : vector<1x1xi32> to vector<1x1xf32>
    %add3A_547 = vector.broadcast %convert_element_type3A_546 : vector<1x1xf32> to vector<16x128xf32>
    %add3A_548 = arith.addf %add3A_547, %add3A_545 : vector<16x128xf32>
    %mul3A_549 = arith.mulf %convert_element_type3A_533, %add3A_548 : vector<16x128xf32>
    %add3A_550 = arith.addf %add3A_462, %mul3A_549 : vector<16x128xf32>
    %reduce_sum3A_551 = vector.shape_cast %convert_element_type3A_533 : vector<16x128xf32> to vector<1x16x128xf32>
    %reduce_sum3A_552 = arith.constant dense<0.000000e+00> : vector<1xf32>
    %reduce_sum3A_553 = vector.multi_reduction <add>, %reduce_sum3A_551, %reduce_sum3A_552 [1, 2] : vector<1x16x128xf32> to vector<1xf32>
    %reduce_sum3A_554 = vector.shape_cast %reduce_sum3A_553 : vector<1xf32> to vector<1x1x1xf32>
    %reduce_sum3A_555 = vector.extract %reduce_sum3A_554[0, 0, 0] : f32 from vector<1x1x1xf32>
    %broadcast_in_dim3A_556 = vector.broadcast %reduce_sum3A_555 : f32 to vector<1x1xf32>
    %convert_element_type3A_557 = arith.fptosi %broadcast_in_dim3A_556 : vector<1x1xf32> to vector<1x1xi32>
    %add3A_558 = arith.constant 128 : i32
    %add3A_559 = vector.broadcast %add3A_558 : i32 to vector<1x1xi32>
    %add3A_560 = arith.addi %convert_element_type3A_557, %add3A_559 : vector<1x1xi32>
    %sub3A_561 = arith.constant 1 : i32
    %sub3A_562 = vector.broadcast %sub3A_561 : i32 to vector<1x1xi32>
    %sub3A_563 = arith.subi %add3A_560, %sub3A_562 : vector<1x1xi32>
    %jit3A_564 = arith.constant 128 : i32
    %div3A_565 = vector.broadcast %jit3A_564 : i32 to vector<1x1xi32>
    %div3A_566 = arith.divsi %sub3A_563, %div3A_565 : vector<1x1xi32>
    %sign3A_567 = arith.constant 0 : i32
    %sign3A_568 = vector.broadcast %sign3A_567 : i32 to vector<1x1xi32>
    %sign3A_569 = arith.cmpi sgt, %sub3A_563, %sign3A_568 : vector<1x1xi32>
    %sign3A_570 = arith.extui %sign3A_569 : vector<1x1xi1> to vector<1x1xi32>
    %sign3A_571 = arith.constant 0 : i32
    %sign3A_572 = vector.broadcast %sign3A_571 : i32 to vector<1x1xi32>
    %sign3A_573 = arith.cmpi slt, %sub3A_563, %sign3A_572 : vector<1x1xi32>
    %sign3A_574 = arith.extui %sign3A_573 : vector<1x1xi1> to vector<1x1xi32>
    %sign3A_575 = arith.subi %sign3A_570, %sign3A_574 : vector<1x1xi32>
    %sign3A_576 = arith.constant 0 : i32
    %sign3A_577 = arith.cmpi sgt, %jit3A_564, %sign3A_576 : i32
    %sign3A_578 = arith.extui %sign3A_577 : i1 to i32
    %sign3A_579 = arith.constant 0 : i32
    %sign3A_580 = arith.cmpi slt, %jit3A_564, %sign3A_579 : i32
    %sign3A_581 = arith.extui %sign3A_580 : i1 to i32
    %sign3A_582 = arith.subi %sign3A_578, %sign3A_581 : i32
    %ne3A_583 = vector.broadcast %sign3A_582 : i32 to vector<1x1xi32>
    %ne3A_584 = arith.cmpi ne, %sign3A_575, %ne3A_583 : vector<1x1xi32>
    %rem3A_585 = vector.broadcast %jit3A_564 : i32 to vector<1x1xi32>
    %rem3A_586 = arith.remsi %sub3A_563, %rem3A_585 : vector<1x1xi32>
    %ne3A_587 = arith.constant 0 : i32
    %ne3A_588 = vector.broadcast %ne3A_587 : i32 to vector<1x1xi32>
    %ne3A_589 = arith.cmpi ne, %rem3A_586, %ne3A_588 : vector<1x1xi32>
    %and3A_590 = arith.andi %ne3A_584, %ne3A_589 : vector<1x1xi1>
    %sub3A_591 = arith.constant 1 : i32
    %sub3A_592 = vector.broadcast %sub3A_591 : i32 to vector<1x1xi32>
    %sub3A_593 = arith.subi %div3A_566, %sub3A_592 : vector<1x1xi32>
    %select_n3A_594 = arith.select %and3A_590, %sub3A_593, %div3A_566 : vector<1x1xi1>, vector<1x1xi32>
    %gt3A_595 = arith.constant 0 : i32
    %gt3A_596 = vector.broadcast %gt3A_595 : i32 to vector<1x1xi32>
    %gt3A_597 = arith.cmpi sgt, %convert_element_type3A_557, %gt3A_596 : vector<1x1xi32>
    %jit3A_598 = arith.constant 5 : i32
    %broadcast_in_dim3A_599 = vector.broadcast %jit3A_598 : i32 to vector<1x1xi32>
    %select_n3A_600 = arith.select %gt3A_597, %broadcast_in_dim3A_599, %select_n3A_512 : vector<1x1xi1>, vector<1x1xi32>
    %add3A_601 = arith.addi %add3A_513, %select_n3A_594 : vector<1x1xi32>
    %ge3A_602 = vector.broadcast %add3A_601 : vector<1x1xi32> to vector<1x24xi32>
    %ge3A_603 = arith.cmpi sge, %iota3A_85, %ge3A_602 : vector<1x24xi32>
    %convert_element_type3A_604 = arith.extui %ge3A_603 : vector<1x24xi1> to vector<1x24xi32>
    %add3A_605 = arith.addi %add3A_517, %convert_element_type3A_604 : vector<1x24xi32>
    %eq3A_606 = arith.constant 6 : i32
    %eq3A_607 = vector.broadcast %eq3A_606 : i32 to vector<1x9xi32>
    %eq3A_608 = arith.cmpi eq, %iota3A_86, %eq3A_607 : vector<1x9xi32>
    %convert_element_type3A_609 = arith.extui %eq3A_608 : vector<1x9xi1> to vector<1x9xi32>
    %mul3A_610 = vector.broadcast %add3A_601 : vector<1x1xi32> to vector<1x9xi32>
    %mul3A_611 = arith.muli %convert_element_type3A_609, %mul3A_610 : vector<1x9xi32>
    %add3A_612 = arith.addi %add3A_524, %mul3A_611 : vector<1x9xi32>
    %mul3A_613 = arith.constant 128 : i32
    %mul3A_614 = vector.broadcast %mul3A_613 : i32 to vector<1x1xi32>
    %mul3A_615 = arith.muli %select_n3A_594, %mul3A_614 : vector<1x1xi32>
    %add3A_616 = arith.addi %add3A_528, %mul3A_615 : vector<1x1xi32>
    %eq3A_617 = arith.constant 6 : i32
    %eq3A_618 = vector.broadcast %eq3A_617 : i32 to vector<16x128xi32>
    %eq3A_619 = arith.cmpi eq, %select_n3A_70, %eq3A_618 : vector<16x128xi32>
    %convert_element_type3A_620 = arith.extui %eq3A_619 : vector<16x128xi1> to vector<16x128xi32>
    %convert_element_type3A_621 = arith.sitofp %convert_element_type3A_620 : vector<16x128xi32> to vector<16x128xf32>
    %dot_general3A_622 = arith.constant dense<0.000000e+00> : vector<16x128xf32>
    %dot_general3A_623 = tpu.matmul %convert_element_type3A_621, %convert_element_type3A_80, %dot_general3A_622 {dimension_numbers = #tpu.dot_dimension_numbers<[1], [0], [0], [1], [0, 0, 1, 1], [], []>, transpose_lhs_hint = false} : vector<16x128xf32>, vector<128x128xf32>, vector<16x128xf32> -> vector<16x128xf32>
    %reduce_sum3A_624 = arith.constant dense<0.000000e+00> : vector<16xf32>
    %reduce_sum3A_625 = vector.multi_reduction <add>, %convert_element_type3A_621, %reduce_sum3A_624 [1] : vector<16x128xf32> to vector<16xf32>
    %broadcast_in_dim3A_626 = vector.shape_cast %reduce_sum3A_625 : vector<16xf32> to vector<16x1xf32>
    %dot_general3A_627 = arith.constant dense<0.000000e+00> : vector<16x1xf32>
    %dot_general3A_628 = tpu.matmul %convert_element_type3A_84, %broadcast_in_dim3A_626, %dot_general3A_627 {dimension_numbers = #tpu.dot_dimension_numbers<[1], [0], [0], [1], [0, 0, 1, 1], [], []>, transpose_lhs_hint = false} : vector<16x16xf32>, vector<16x1xf32>, vector<16x1xf32> -> vector<16x1xf32>
    %sub3A_629 = arith.constant 1.000000e+00 : f32
    %sub3A_630 = vector.broadcast %sub3A_629 : f32 to vector<16x128xf32>
    %sub3A_631 = arith.subf %dot_general3A_623, %sub3A_630 : vector<16x128xf32>
    %add3A_632 = vector.broadcast %dot_general3A_628 : vector<16x1xf32> to vector<16x128xf32>
    %add3A_633 = arith.addf %sub3A_631, %add3A_632 : vector<16x128xf32>
    %convert_element_type3A_634 = arith.sitofp %add3A_616 : vector<1x1xi32> to vector<1x1xf32>
    %add3A_635 = vector.broadcast %convert_element_type3A_634 : vector<1x1xf32> to vector<16x128xf32>
    %add3A_636 = arith.addf %add3A_635, %add3A_633 : vector<16x128xf32>
    %mul3A_637 = arith.mulf %convert_element_type3A_621, %add3A_636 : vector<16x128xf32>
    %add3A_638 = arith.addf %add3A_550, %mul3A_637 : vector<16x128xf32>
    %reduce_sum3A_639 = vector.shape_cast %convert_element_type3A_621 : vector<16x128xf32> to vector<1x16x128xf32>
    %reduce_sum3A_640 = arith.constant dense<0.000000e+00> : vector<1xf32>
    %reduce_sum3A_641 = vector.multi_reduction <add>, %reduce_sum3A_639, %reduce_sum3A_640 [1, 2] : vector<1x16x128xf32> to vector<1xf32>
    %reduce_sum3A_642 = vector.shape_cast %reduce_sum3A_641 : vector<1xf32> to vector<1x1x1xf32>
    %reduce_sum3A_643 = vector.extract %reduce_sum3A_642[0, 0, 0] : f32 from vector<1x1x1xf32>
    %broadcast_in_dim3A_644 = vector.broadcast %reduce_sum3A_643 : f32 to vector<1x1xf32>
    %convert_element_type3A_645 = arith.fptosi %broadcast_in_dim3A_644 : vector<1x1xf32> to vector<1x1xi32>
    %add3A_646 = arith.constant 128 : i32
    %add3A_647 = vector.broadcast %add3A_646 : i32 to vector<1x1xi32>
    %add3A_648 = arith.addi %convert_element_type3A_645, %add3A_647 : vector<1x1xi32>
    %sub3A_649 = arith.constant 1 : i32
    %sub3A_650 = vector.broadcast %sub3A_649 : i32 to vector<1x1xi32>
    %sub3A_651 = arith.subi %add3A_648, %sub3A_650 : vector<1x1xi32>
    %jit3A_652 = arith.constant 128 : i32
    %div3A_653 = vector.broadcast %jit3A_652 : i32 to vector<1x1xi32>
    %div3A_654 = arith.divsi %sub3A_651, %div3A_653 : vector<1x1xi32>
    %sign3A_655 = arith.constant 0 : i32
    %sign3A_656 = vector.broadcast %sign3A_655 : i32 to vector<1x1xi32>
    %sign3A_657 = arith.cmpi sgt, %sub3A_651, %sign3A_656 : vector<1x1xi32>
    %sign3A_658 = arith.extui %sign3A_657 : vector<1x1xi1> to vector<1x1xi32>
    %sign3A_659 = arith.constant 0 : i32
    %sign3A_660 = vector.broadcast %sign3A_659 : i32 to vector<1x1xi32>
    %sign3A_661 = arith.cmpi slt, %sub3A_651, %sign3A_660 : vector<1x1xi32>
    %sign3A_662 = arith.extui %sign3A_661 : vector<1x1xi1> to vector<1x1xi32>
    %sign3A_663 = arith.subi %sign3A_658, %sign3A_662 : vector<1x1xi32>
    %sign3A_664 = arith.constant 0 : i32
    %sign3A_665 = arith.cmpi sgt, %jit3A_652, %sign3A_664 : i32
    %sign3A_666 = arith.extui %sign3A_665 : i1 to i32
    %sign3A_667 = arith.constant 0 : i32
    %sign3A_668 = arith.cmpi slt, %jit3A_652, %sign3A_667 : i32
    %sign3A_669 = arith.extui %sign3A_668 : i1 to i32
    %sign3A_670 = arith.subi %sign3A_666, %sign3A_669 : i32
    %ne3A_671 = vector.broadcast %sign3A_670 : i32 to vector<1x1xi32>
    %ne3A_672 = arith.cmpi ne, %sign3A_663, %ne3A_671 : vector<1x1xi32>
    %rem3A_673 = vector.broadcast %jit3A_652 : i32 to vector<1x1xi32>
    %rem3A_674 = arith.remsi %sub3A_651, %rem3A_673 : vector<1x1xi32>
    %ne3A_675 = arith.constant 0 : i32
    %ne3A_676 = vector.broadcast %ne3A_675 : i32 to vector<1x1xi32>
    %ne3A_677 = arith.cmpi ne, %rem3A_674, %ne3A_676 : vector<1x1xi32>
    %and3A_678 = arith.andi %ne3A_672, %ne3A_677 : vector<1x1xi1>
    %sub3A_679 = arith.constant 1 : i32
    %sub3A_680 = vector.broadcast %sub3A_679 : i32 to vector<1x1xi32>
    %sub3A_681 = arith.subi %div3A_654, %sub3A_680 : vector<1x1xi32>
    %select_n3A_682 = arith.select %and3A_678, %sub3A_681, %div3A_654 : vector<1x1xi1>, vector<1x1xi32>
    %gt3A_683 = arith.constant 0 : i32
    %gt3A_684 = vector.broadcast %gt3A_683 : i32 to vector<1x1xi32>
    %gt3A_685 = arith.cmpi sgt, %convert_element_type3A_645, %gt3A_684 : vector<1x1xi32>
    %jit3A_686 = arith.constant 6 : i32
    %broadcast_in_dim3A_687 = vector.broadcast %jit3A_686 : i32 to vector<1x1xi32>
    %select_n3A_688 = arith.select %gt3A_685, %broadcast_in_dim3A_687, %select_n3A_600 : vector<1x1xi1>, vector<1x1xi32>
    %add3A_689 = arith.addi %add3A_601, %select_n3A_682 : vector<1x1xi32>
    %ge3A_690 = vector.broadcast %add3A_689 : vector<1x1xi32> to vector<1x24xi32>
    %ge3A_691 = arith.cmpi sge, %iota3A_85, %ge3A_690 : vector<1x24xi32>
    %convert_element_type3A_692 = arith.extui %ge3A_691 : vector<1x24xi1> to vector<1x24xi32>
    %add3A_693 = arith.addi %add3A_605, %convert_element_type3A_692 : vector<1x24xi32>
    %eq3A_694 = arith.constant 7 : i32
    %eq3A_695 = vector.broadcast %eq3A_694 : i32 to vector<1x9xi32>
    %eq3A_696 = arith.cmpi eq, %iota3A_86, %eq3A_695 : vector<1x9xi32>
    %convert_element_type3A_697 = arith.extui %eq3A_696 : vector<1x9xi1> to vector<1x9xi32>
    %mul3A_698 = vector.broadcast %add3A_689 : vector<1x1xi32> to vector<1x9xi32>
    %mul3A_699 = arith.muli %convert_element_type3A_697, %mul3A_698 : vector<1x9xi32>
    %add3A_700 = arith.addi %add3A_612, %mul3A_699 : vector<1x9xi32>
    %mul3A_701 = arith.constant 128 : i32
    %mul3A_702 = vector.broadcast %mul3A_701 : i32 to vector<1x1xi32>
    %mul3A_703 = arith.muli %select_n3A_682, %mul3A_702 : vector<1x1xi32>
    %add3A_704 = arith.addi %add3A_616, %mul3A_703 : vector<1x1xi32>
    %eq3A_705 = arith.constant 7 : i32
    %eq3A_706 = vector.broadcast %eq3A_705 : i32 to vector<16x128xi32>
    %eq3A_707 = arith.cmpi eq, %select_n3A_70, %eq3A_706 : vector<16x128xi32>
    %convert_element_type3A_708 = arith.extui %eq3A_707 : vector<16x128xi1> to vector<16x128xi32>
    %convert_element_type3A_709 = arith.sitofp %convert_element_type3A_708 : vector<16x128xi32> to vector<16x128xf32>
    %dot_general3A_710 = arith.constant dense<0.000000e+00> : vector<16x128xf32>
    %dot_general3A_711 = tpu.matmul %convert_element_type3A_709, %convert_element_type3A_80, %dot_general3A_710 {dimension_numbers = #tpu.dot_dimension_numbers<[1], [0], [0], [1], [0, 0, 1, 1], [], []>, transpose_lhs_hint = false} : vector<16x128xf32>, vector<128x128xf32>, vector<16x128xf32> -> vector<16x128xf32>
    %reduce_sum3A_712 = arith.constant dense<0.000000e+00> : vector<16xf32>
    %reduce_sum3A_713 = vector.multi_reduction <add>, %convert_element_type3A_709, %reduce_sum3A_712 [1] : vector<16x128xf32> to vector<16xf32>
    %broadcast_in_dim3A_714 = vector.shape_cast %reduce_sum3A_713 : vector<16xf32> to vector<16x1xf32>
    %dot_general3A_715 = arith.constant dense<0.000000e+00> : vector<16x1xf32>
    %dot_general3A_716 = tpu.matmul %convert_element_type3A_84, %broadcast_in_dim3A_714, %dot_general3A_715 {dimension_numbers = #tpu.dot_dimension_numbers<[1], [0], [0], [1], [0, 0, 1, 1], [], []>, transpose_lhs_hint = false} : vector<16x16xf32>, vector<16x1xf32>, vector<16x1xf32> -> vector<16x1xf32>
    %sub3A_717 = arith.constant 1.000000e+00 : f32
    %sub3A_718 = vector.broadcast %sub3A_717 : f32 to vector<16x128xf32>
    %sub3A_719 = arith.subf %dot_general3A_711, %sub3A_718 : vector<16x128xf32>
    %add3A_720 = vector.broadcast %dot_general3A_716 : vector<16x1xf32> to vector<16x128xf32>
    %add3A_721 = arith.addf %sub3A_719, %add3A_720 : vector<16x128xf32>
    %convert_element_type3A_722 = arith.sitofp %add3A_704 : vector<1x1xi32> to vector<1x1xf32>
    %add3A_723 = vector.broadcast %convert_element_type3A_722 : vector<1x1xf32> to vector<16x128xf32>
    %add3A_724 = arith.addf %add3A_723, %add3A_721 : vector<16x128xf32>
    %mul3A_725 = arith.mulf %convert_element_type3A_709, %add3A_724 : vector<16x128xf32>
    %add3A_726 = arith.addf %add3A_638, %mul3A_725 : vector<16x128xf32>
    %reduce_sum3A_727 = vector.shape_cast %convert_element_type3A_709 : vector<16x128xf32> to vector<1x16x128xf32>
    %reduce_sum3A_728 = arith.constant dense<0.000000e+00> : vector<1xf32>
    %reduce_sum3A_729 = vector.multi_reduction <add>, %reduce_sum3A_727, %reduce_sum3A_728 [1, 2] : vector<1x16x128xf32> to vector<1xf32>
    %reduce_sum3A_730 = vector.shape_cast %reduce_sum3A_729 : vector<1xf32> to vector<1x1x1xf32>
    %reduce_sum3A_731 = vector.extract %reduce_sum3A_730[0, 0, 0] : f32 from vector<1x1x1xf32>
    %broadcast_in_dim3A_732 = vector.broadcast %reduce_sum3A_731 : f32 to vector<1x1xf32>
    %convert_element_type3A_733 = arith.fptosi %broadcast_in_dim3A_732 : vector<1x1xf32> to vector<1x1xi32>
    %add3A_734 = arith.constant 128 : i32
    %add3A_735 = vector.broadcast %add3A_734 : i32 to vector<1x1xi32>
    %add3A_736 = arith.addi %convert_element_type3A_733, %add3A_735 : vector<1x1xi32>
    %sub3A_737 = arith.constant 1 : i32
    %sub3A_738 = vector.broadcast %sub3A_737 : i32 to vector<1x1xi32>
    %sub3A_739 = arith.subi %add3A_736, %sub3A_738 : vector<1x1xi32>
    %jit3A_740 = arith.constant 128 : i32
    %div3A_741 = vector.broadcast %jit3A_740 : i32 to vector<1x1xi32>
    %div3A_742 = arith.divsi %sub3A_739, %div3A_741 : vector<1x1xi32>
    %sign3A_743 = arith.constant 0 : i32
    %sign3A_744 = vector.broadcast %sign3A_743 : i32 to vector<1x1xi32>
    %sign3A_745 = arith.cmpi sgt, %sub3A_739, %sign3A_744 : vector<1x1xi32>
    %sign3A_746 = arith.extui %sign3A_745 : vector<1x1xi1> to vector<1x1xi32>
    %sign3A_747 = arith.constant 0 : i32
    %sign3A_748 = vector.broadcast %sign3A_747 : i32 to vector<1x1xi32>
    %sign3A_749 = arith.cmpi slt, %sub3A_739, %sign3A_748 : vector<1x1xi32>
    %sign3A_750 = arith.extui %sign3A_749 : vector<1x1xi1> to vector<1x1xi32>
    %sign3A_751 = arith.subi %sign3A_746, %sign3A_750 : vector<1x1xi32>
    %sign3A_752 = arith.constant 0 : i32
    %sign3A_753 = arith.cmpi sgt, %jit3A_740, %sign3A_752 : i32
    %sign3A_754 = arith.extui %sign3A_753 : i1 to i32
    %sign3A_755 = arith.constant 0 : i32
    %sign3A_756 = arith.cmpi slt, %jit3A_740, %sign3A_755 : i32
    %sign3A_757 = arith.extui %sign3A_756 : i1 to i32
    %sign3A_758 = arith.subi %sign3A_754, %sign3A_757 : i32
    %ne3A_759 = vector.broadcast %sign3A_758 : i32 to vector<1x1xi32>
    %ne3A_760 = arith.cmpi ne, %sign3A_751, %ne3A_759 : vector<1x1xi32>
    %rem3A_761 = vector.broadcast %jit3A_740 : i32 to vector<1x1xi32>
    %rem3A_762 = arith.remsi %sub3A_739, %rem3A_761 : vector<1x1xi32>
    %ne3A_763 = arith.constant 0 : i32
    %ne3A_764 = vector.broadcast %ne3A_763 : i32 to vector<1x1xi32>
    %ne3A_765 = arith.cmpi ne, %rem3A_762, %ne3A_764 : vector<1x1xi32>
    %and3A_766 = arith.andi %ne3A_760, %ne3A_765 : vector<1x1xi1>
    %sub3A_767 = arith.constant 1 : i32
    %sub3A_768 = vector.broadcast %sub3A_767 : i32 to vector<1x1xi32>
    %sub3A_769 = arith.subi %div3A_742, %sub3A_768 : vector<1x1xi32>
    %select_n3A_770 = arith.select %and3A_766, %sub3A_769, %div3A_742 : vector<1x1xi1>, vector<1x1xi32>
    %gt3A_771 = arith.constant 0 : i32
    %gt3A_772 = vector.broadcast %gt3A_771 : i32 to vector<1x1xi32>
    %gt3A_773 = arith.cmpi sgt, %convert_element_type3A_733, %gt3A_772 : vector<1x1xi32>
    %jit3A_774 = arith.constant 7 : i32
    %broadcast_in_dim3A_775 = vector.broadcast %jit3A_774 : i32 to vector<1x1xi32>
    %select_n3A_776 = arith.select %gt3A_773, %broadcast_in_dim3A_775, %select_n3A_688 : vector<1x1xi1>, vector<1x1xi32>
    %add3A_777 = arith.addi %add3A_689, %select_n3A_770 : vector<1x1xi32>
    %ge3A_778 = vector.broadcast %add3A_777 : vector<1x1xi32> to vector<1x24xi32>
    %ge3A_779 = arith.cmpi sge, %iota3A_85, %ge3A_778 : vector<1x24xi32>
    %convert_element_type3A_780 = arith.extui %ge3A_779 : vector<1x24xi1> to vector<1x24xi32>
    %add3A_781 = arith.addi %add3A_693, %convert_element_type3A_780 : vector<1x24xi32>
    %eq3A_782 = arith.constant 8 : i32
    %eq3A_783 = vector.broadcast %eq3A_782 : i32 to vector<1x9xi32>
    %eq3A_784 = arith.cmpi eq, %iota3A_86, %eq3A_783 : vector<1x9xi32>
    %convert_element_type3A_785 = arith.extui %eq3A_784 : vector<1x9xi1> to vector<1x9xi32>
    %mul3A_786 = vector.broadcast %add3A_777 : vector<1x1xi32> to vector<1x9xi32>
    %mul3A_787 = arith.muli %convert_element_type3A_785, %mul3A_786 : vector<1x9xi32>
    %add3A_788 = arith.addi %add3A_700, %mul3A_787 : vector<1x9xi32>
    %lt3A_789 = vector.broadcast %add3A_777 : vector<1x1xi32> to vector<1x24xi32>
    %lt3A_790 = arith.cmpi slt, %iota3A_85, %lt3A_789 : vector<1x24xi32>
    %broadcast_in_dim3A_791 = vector.shape_cast %select_n3A_776 : vector<1x1xi32> to vector<1x1xi32>
    %broadcast_in_dim3A_792 = vector.broadcast %broadcast_in_dim3A_791 : vector<1x1xi32> to vector<1x24xi32>
    %select_n3A_793 = arith.select %lt3A_790, %add3A_781, %broadcast_in_dim3A_792 : vector<1x24xi1>, vector<1x24xi32>
    %convert_element_type3A_794 = arith.fptosi %add3A_726 : vector<16x128xf32> to vector<16x128xi32>
    %swap3A_795 = arith.constant 0 : index
    %swap3A_796 = arith.constant 0 : index
    %swap3A_797 = vector.load %arg1[%swap3A_795, %swap3A_796] : memref<16x128xi32, #tpu.memory_space<vmem>>, vector<16x128xi32>
    tpu.vector_store %arg1[%swap3A_795, %swap3A_796], %convert_element_type3A_794 {strides = array<i32>} : memref<16x128xi32, #tpu.memory_space<vmem>>, vector<16x128xi32>,
    %swap3A_798 = arith.constant 0 : index
    %swap3A_799 = arith.constant 0 : index
    %swap3A_800 = vector.load %arg2[%swap3A_798, %swap3A_799] : memref<1x24xi32, #tpu.memory_space<vmem>>, vector<1x24xi32>
    tpu.vector_store %arg2[%swap3A_798, %swap3A_799], %select_n3A_793 {strides = array<i32>} : memref<1x24xi32, #tpu.memory_space<vmem>>, vector<1x24xi32>,
    %swap3A_801 = arith.constant 0 : index
    %swap3A_802 = arith.constant 0 : index
    %swap3A_803 = vector.load %arg3[%swap3A_801, %swap3A_802] : memref<1x1xi32, #tpu.memory_space<vmem>>, vector<1x1xi32>
    tpu.vector_store %arg3[%swap3A_801, %swap3A_802], %add3A_777 {strides = array<i32>} : memref<1x1xi32, #tpu.memory_space<vmem>>, vector<1x1xi32>,
    %swap3A_804 = arith.constant 0 : index
    %swap3A_805 = arith.constant 0 : index
    %swap3A_806 = vector.load %arg4[%swap3A_804, %swap3A_805] : memref<1x9xi32, #tpu.memory_space<vmem>>, vector<1x9xi32>
    tpu.vector_store %arg4[%swap3A_804, %swap3A_805], %add3A_788 {strides = array<i32>} : memref<1x9xi32, #tpu.memory_space<vmem>>, vector<1x9xi32>,
    return
  }
}

module attributes {stable_mosaic.version = 14 : i64} {
  func.func @_ln_body(%arg0: i32, %arg1: memref<24xi32, #tpu.memory_space<smem>>, %arg2: memref<1xi32, #tpu.memory_space<smem>>, %arg3: memref<128x1024xf32, #tpu.memory_space<vmem>>, %arg4: memref<1x1x1024xf32, #tpu.memory_space<vmem>>, %arg5: memref<1x1x1024xf32, #tpu.memory_space<vmem>>, %arg6: memref<128x1024xbf16, #tpu.memory_space<vmem>>) attributes {dimension_semantics = [#tpu.dimension_semantics<arbitrary>], iteration_bounds = array<i64: 24>, scalar_prefetch = 2 : i64, scratch_operands = 0 : i64, tpu.core_type = #tpu.core_type<tc>, window_params = [{transform_indices = @transform_0, window_bounds = array<i64: 128, 1024>}, {transform_indices = @transform_1, window_bounds = array<i64: 1, 1, 1024>}, {transform_indices = @transform_2, window_bounds = array<i64: 1, 1, 1024>}, {transform_indices = @transform_3, window_bounds = array<i64: 128, 1024>}]} {
    %get3A = arith.constant 0 : index
    %get3A_0 = memref.load %arg2[%get3A] : memref<1xi32, #tpu.memory_space<smem>>
    %lt3A = arith.cmpi slt, %arg0, %get3A_0 : i32
    %convert_element_type3A = arith.extui %lt3A : i1 to i32
    %cond3A = arith.constant 0 : i32
    %cond3A_1 = arith.cmpi ne, %convert_element_type3A, %cond3A : i32
    scf.if %cond3A_1 {
      %get3A_2 = arith.constant 0 : index
      %get3A_3 = arith.constant 0 : index
      %get3A_4 = vector.load %arg3[%get3A_2, %get3A_3] : memref<128x1024xf32, #tpu.memory_space<vmem>>, vector<128x1024xf32>
      %reduce_sum3A = arith.constant dense<0.000000e+00> : vector<128xf32>
      %reduce_sum3A_5 = vector.multi_reduction <add>, %get3A_4, %reduce_sum3A [1] : vector<128x1024xf32> to vector<128xf32>
      %broadcast_in_dim3A = vector.shape_cast %reduce_sum3A_5 : vector<128xf32> to vector<128x1xf32>
      %div3A = arith.constant 1.024000e+03 : f32
      %div3A_6 = vector.broadcast %div3A : f32 to vector<128x1xf32>
      %div3A_7 = arith.divf %broadcast_in_dim3A, %div3A_6 : vector<128x1xf32>
      %sub3A = vector.broadcast %div3A_7 : vector<128x1xf32> to vector<128x1024xf32>
      %sub3A_8 = arith.subf %get3A_4, %sub3A : vector<128x1024xf32>
      %mul3A = arith.mulf %sub3A_8, %sub3A_8 : vector<128x1024xf32>
      %reduce_sum3A_9 = arith.constant dense<0.000000e+00> : vector<128xf32>
      %reduce_sum3A_10 = vector.multi_reduction <add>, %mul3A, %reduce_sum3A_9 [1] : vector<128x1024xf32> to vector<128xf32>
      %broadcast_in_dim3A_11 = vector.shape_cast %reduce_sum3A_10 : vector<128xf32> to vector<128x1xf32>
      %div3A_12 = arith.constant 1.024000e+03 : f32
      %div3A_13 = vector.broadcast %div3A_12 : f32 to vector<128x1xf32>
      %div3A_14 = arith.divf %broadcast_in_dim3A_11, %div3A_13 : vector<128x1xf32>
      %add3A = arith.constant 9.99999974E-6 : f32
      %add3A_15 = vector.broadcast %add3A : f32 to vector<128x1xf32>
      %add3A_16 = arith.addf %div3A_14, %add3A_15 : vector<128x1xf32>
      %rsqrt3A = math.rsqrt %add3A_16 : vector<128x1xf32>
      %mul3A_17 = vector.broadcast %rsqrt3A : vector<128x1xf32> to vector<128x1024xf32>
      %mul3A_18 = arith.mulf %sub3A_8, %mul3A_17 : vector<128x1024xf32>
      %get3A_19 = arith.constant 0 : index
      %get3A_20 = arith.constant 0 : index
      %get3A_21 = arith.constant 0 : index
      %get3A_22 = vector.load %arg4[%get3A_19, %get3A_20, %get3A_21] : memref<1x1x1024xf32, #tpu.memory_space<vmem>>, vector<1x1x1024xf32>
      %get3A_23 = vector.shape_cast %get3A_22 : vector<1x1x1024xf32> to vector<1x1024xf32>
      %mul3A_24 = vector.broadcast %get3A_23 : vector<1x1024xf32> to vector<128x1024xf32>
      %mul3A_25 = arith.mulf %mul3A_18, %mul3A_24 : vector<128x1024xf32>
      %get3A_26 = arith.constant 0 : index
      %get3A_27 = arith.constant 0 : index
      %get3A_28 = arith.constant 0 : index
      %get3A_29 = vector.load %arg5[%get3A_26, %get3A_27, %get3A_28] : memref<1x1x1024xf32, #tpu.memory_space<vmem>>, vector<1x1x1024xf32>
      %get3A_30 = vector.shape_cast %get3A_29 : vector<1x1x1024xf32> to vector<1x1024xf32>
      %add3A_31 = vector.broadcast %get3A_30 : vector<1x1024xf32> to vector<128x1024xf32>
      %add3A_32 = arith.addf %mul3A_25, %add3A_31 : vector<128x1024xf32>
      %convert_element_type3A_33 = arith.truncf %add3A_32 : vector<128x1024xf32> to vector<128x1024xbf16>
      %swap3A = arith.constant 0 : index
      %swap3A_34 = arith.constant 0 : index
      %swap3A_35 = vector.load %arg6[%swap3A, %swap3A_34] : memref<128x1024xbf16, #tpu.memory_space<vmem>>, vector<128x1024xbf16>
      tpu.vector_store %arg6[%swap3A, %swap3A_34], %convert_element_type3A_33 {strides = array<i32>} : memref<128x1024xbf16, #tpu.memory_space<vmem>>, vector<128x1024xbf16>,
    } else {
    }
    return
  }
  func.func @transform_0(%arg0: i32, %arg1: memref<24xi32, #tpu.memory_space<smem>>, %arg2: memref<1xi32, #tpu.memory_space<smem>>) -> (i32, i32) {
    %get3A = arith.constant 0 : index
    %get3A_0 = memref.load %arg2[%get3A] : memref<1xi32, #tpu.memory_space<smem>>
    %sub3A = arith.constant 1 : i32
    %sub3A_1 = arith.subi %get3A_0, %sub3A : i32
    %min3A = arith.minsi %arg0, %sub3A_1 : i32
    %c0_i32 = arith.constant 0 : i32
    %c0_i32_2 = arith.constant 0 : i32
    return %min3A, %c0_i32 : i32, i32
  }
  func.func @transform_1(%arg0: i32, %arg1: memref<24xi32, #tpu.memory_space<smem>>, %arg2: memref<1xi32, #tpu.memory_space<smem>>) -> (i32, i32, i32) {
    %get3A = arith.constant 0 : index
    %get3A_0 = memref.load %arg2[%get3A] : memref<1xi32, #tpu.memory_space<smem>>
    %sub3A = arith.constant 1 : i32
    %sub3A_1 = arith.subi %get3A_0, %sub3A : i32
    %min3A = arith.minsi %arg0, %sub3A_1 : i32
    %get3A_2 = arith.index_cast %min3A : i32 to index
    %get3A_3 = memref.load %arg1[%get3A_2] : memref<24xi32, #tpu.memory_space<smem>>
    %c0_i32 = arith.constant 0 : i32
    %c0_i32_4 = arith.constant 0 : i32
    %c0_i32_5 = arith.constant 0 : i32
    return %get3A_3, %c0_i32, %c0_i32_4 : i32, i32, i32
  }
  func.func @transform_2(%arg0: i32, %arg1: memref<24xi32, #tpu.memory_space<smem>>, %arg2: memref<1xi32, #tpu.memory_space<smem>>) -> (i32, i32, i32) {
    %get3A = arith.constant 0 : index
    %get3A_0 = memref.load %arg2[%get3A] : memref<1xi32, #tpu.memory_space<smem>>
    %sub3A = arith.constant 1 : i32
    %sub3A_1 = arith.subi %get3A_0, %sub3A : i32
    %min3A = arith.minsi %arg0, %sub3A_1 : i32
    %get3A_2 = arith.index_cast %min3A : i32 to index
    %get3A_3 = memref.load %arg1[%get3A_2] : memref<24xi32, #tpu.memory_space<smem>>
    %c0_i32 = arith.constant 0 : i32
    %c0_i32_4 = arith.constant 0 : i32
    %c0_i32_5 = arith.constant 0 : i32
    return %get3A_3, %c0_i32, %c0_i32_4 : i32, i32, i32
  }
  func.func @transform_3(%arg0: i32, %arg1: memref<24xi32, #tpu.memory_space<smem>>, %arg2: memref<1xi32, #tpu.memory_space<smem>>) -> (i32, i32) {
    %get3A = arith.constant 0 : index
    %get3A_0 = memref.load %arg2[%get3A] : memref<1xi32, #tpu.memory_space<smem>>
    %sub3A = arith.constant 1 : i32
    %sub3A_1 = arith.subi %get3A_0, %sub3A : i32
    %min3A = arith.minsi %arg0, %sub3A_1 : i32
    %c0_i32 = arith.constant 0 : i32
    %c0_i32_2 = arith.constant 0 : i32
    return %min3A, %c0_i32 : i32, i32
  }
}

module attributes {stable_mosaic.version = 14 : i64} {
  func.func @_ffn_body(%arg0: i32, %arg1: i32, %arg2: memref<9xi32, #tpu.memory_space<smem>>, %arg3: memref<1x1024x1024xf32, #tpu.memory_space<vmem>>, %arg4: memref<1x1x1x1024xf32, #tpu.memory_space<vmem>>, %arg5: memref<1x1024x1024xf32, #tpu.memory_space<vmem>>, %arg6: memref<1x1x1024xf32, #tpu.memory_space<vmem>>, %arg7: memref<3072x1024xbf16, #tpu.memory_space<vmem>>, %arg8: memref<3072x1024xf32, #tpu.memory_space<vmem>>, %arg9: memref<1024x1024xbf16, #tpu.memory_space<vmem>>, %arg10: memref<1024x1024xbf16, #tpu.memory_space<vmem>>) attributes {dimension_semantics = [#tpu.dimension_semantics<arbitrary>, #tpu.dimension_semantics<arbitrary>], iteration_bounds = array<i64: 4, 8>, scalar_prefetch = 1 : i64, scratch_operands = 2 : i64, tpu.core_type = #tpu.core_type<tc>, window_params = [{transform_indices = @transform_0, window_bounds = array<i64: 1, 1024, 1024>}, {transform_indices = @transform_1, window_bounds = array<i64: 1, 1, 1, 1024>}, {transform_indices = @transform_2, window_bounds = array<i64: 1, 1024, 1024>}, {transform_indices = @transform_3, window_bounds = array<i64: 1, 1, 1024>}, {pipeline_mode = #tpu.pipeline_mode<synchronous>, transform_indices = @transform_4, window_bounds = array<i64: 3072, 1024>}, {pipeline_mode = #tpu.pipeline_mode<synchronous>, transform_indices = @transform_5, window_bounds = array<i64: 3072, 1024>}]} {
    %get3A = arith.constant 0 : index
    %get3A_0 = arith.constant 0 : index
    %get3A_1 = arith.constant 0 : index
    %get3A_2 = vector.load %arg3[%get3A, %get3A_0, %get3A_1] : memref<1x1024x1024xf32, #tpu.memory_space<vmem>>, vector<1x1024x1024xf32>
    %get3A_3 = vector.shape_cast %get3A_2 : vector<1x1024x1024xf32> to vector<1024x1024xf32>
    %convert_element_type3A = arith.truncf %get3A_3 : vector<1024x1024xf32> to vector<1024x1024xbf16>
    %swap3A = arith.constant 0 : index
    %swap3A_4 = arith.constant 0 : index
    %swap3A_5 = vector.load %arg9[%swap3A, %swap3A_4] : memref<1024x1024xbf16, #tpu.memory_space<vmem>>, vector<1024x1024xbf16>
    tpu.vector_store %arg9[%swap3A, %swap3A_4], %convert_element_type3A {strides = array<i32>} : memref<1024x1024xbf16, #tpu.memory_space<vmem>>, vector<1024x1024xbf16>,
    %get3A_6 = arith.constant 0 : index
    %get3A_7 = arith.constant 0 : index
    %get3A_8 = arith.constant 0 : index
    %get3A_9 = vector.load %arg5[%get3A_6, %get3A_7, %get3A_8] : memref<1x1024x1024xf32, #tpu.memory_space<vmem>>, vector<1x1024x1024xf32>
    %get3A_10 = vector.shape_cast %get3A_9 : vector<1x1024x1024xf32> to vector<1024x1024xf32>
    %convert_element_type3A_11 = arith.truncf %get3A_10 : vector<1024x1024xf32> to vector<1024x1024xbf16>
    %swap3A_12 = arith.constant 0 : index
    %swap3A_13 = arith.constant 0 : index
    %swap3A_14 = vector.load %arg10[%swap3A_12, %swap3A_13] : memref<1024x1024xbf16, #tpu.memory_space<vmem>>, vector<1024x1024xbf16>
    tpu.vector_store %arg10[%swap3A_12, %swap3A_13], %convert_element_type3A_11 {strides = array<i32>} : memref<1024x1024xbf16, #tpu.memory_space<vmem>>, vector<1024x1024xbf16>,
    %get3A_15 = arith.index_cast %arg1 : i32 to index
    %get3A_16 = memref.load %arg2[%get3A_15] : memref<9xi32, #tpu.memory_space<smem>>
    %add3A = arith.constant 1 : i32
    %add3A_17 = arith.addi %arg1, %add3A : i32
    %get3A_18 = arith.index_cast %add3A_17 : i32 to index
    %get3A_19 = memref.load %arg2[%get3A_18] : memref<9xi32, #tpu.memory_space<smem>>
    %while3A = arith.constant 0 : i32
    %while3A_20 = arith.subi %get3A_19, %get3A_16 : i32
    %while3A_21 = arith.addi %get3A_16, %while3A_20 : i32
    %while3A_22 = arith.constant 1 : i32
    %while3A_23 = arith.divsi %while3A_20, %while3A_22 : i32
    %while3A_24 = arith.muli %while3A_23, %while3A_22 : i32
    %while3A_25 = arith.addi %get3A_16, %while3A_24 : i32
    %while3A_26 = arith.constant 1 : i32
    scf.for %while3A_28 = %get3A_16 to %while3A_25 step %while3A_26  : i32 {
      %mul3A = arith.constant 128 : i32
      %mul3A_29 = arith.muli %while3A_28, %mul3A : i32
      %multiple_of3A = tpu.assume_multiple %mul3A_29, 128 : i32
      %get3A_30 = arith.index_cast %multiple_of3A : i32 to index
      %get3A_31 = arith.constant 0 : index
      %get3A_32 = vector.load %arg7[%get3A_30, %get3A_31] : memref<3072x1024xbf16, #tpu.memory_space<vmem>>, vector<128x1024xbf16>
      %get3A_33 = arith.constant 0 : index
      %get3A_34 = arith.constant 0 : index
      %get3A_35 = vector.load %arg9[%get3A_33, %get3A_34] : memref<1024x1024xbf16, #tpu.memory_space<vmem>>, vector<1024x1024xbf16>
      %dot_general3A = arith.constant dense<0.000000e+00> : vector<128x1024xf32>
      %dot_general3A_36 = tpu.matmul %get3A_32, %get3A_35, %dot_general3A {dimension_numbers = #tpu.dot_dimension_numbers<[1], [1], [0], [0], [0, 0, 1, 0], [], []>, transpose_lhs_hint = false} : vector<128x1024xbf16>, vector<1024x1024xbf16>, vector<128x1024xf32> -> vector<128x1024xf32>
      %get3A_37 = arith.constant 0 : index
      %get3A_38 = arith.constant 0 : index
      %get3A_39 = arith.constant 0 : index
      %get3A_40 = arith.constant 0 : index
      %get3A_41 = vector.load %arg4[%get3A_37, %get3A_38, %get3A_39, %get3A_40] : memref<1x1x1x1024xf32, #tpu.memory_space<vmem>>, vector<1x1x1x1024xf32>
      %get3A_42 = vector.shape_cast %get3A_41 : vector<1x1x1x1024xf32> to vector<1x1024xf32>
      %add3A_43 = vector.broadcast %get3A_42 : vector<1x1024xf32> to vector<128x1024xf32>
      %add3A_44 = arith.addf %dot_general3A_36, %add3A_43 : vector<128x1024xf32>
      %max3A = arith.constant 0.000000e+00 : f32
      %max3A_45 = vector.broadcast %max3A : f32 to vector<128x1024xf32>
      %max3A_46 = arith.maximumf %add3A_44, %max3A_45 : vector<128x1024xf32>
      %convert_element_type3A_47 = arith.truncf %max3A_46 : vector<128x1024xf32> to vector<128x1024xbf16>
      %get3A_48 = arith.constant 0 : index
      %get3A_49 = arith.constant 0 : index
      %get3A_50 = vector.load %arg10[%get3A_48, %get3A_49] : memref<1024x1024xbf16, #tpu.memory_space<vmem>>, vector<1024x1024xbf16>
      %dot_general3A_51 = arith.constant dense<0.000000e+00> : vector<128x1024xf32>
      %dot_general3A_52 = tpu.matmul %convert_element_type3A_47, %get3A_50, %dot_general3A_51 {dimension_numbers = #tpu.dot_dimension_numbers<[1], [1], [0], [0], [0, 0, 1, 0], [], []>, transpose_lhs_hint = false} : vector<128x1024xbf16>, vector<1024x1024xbf16>, vector<128x1024xf32> -> vector<128x1024xf32>
      %eq3A = arith.constant 0 : i32
      %eq3A_53 = arith.cmpi eq, %arg0, %eq3A : i32
      %convert_element_type3A_54 = arith.extui %eq3A_53 : i1 to i32
      %cond3A = arith.constant 0 : i32
      %cond3A_55 = arith.cmpi ne, %convert_element_type3A_54, %cond3A : i32
      scf.if %cond3A_55 {
        %get3A_60 = arith.constant 0 : index
        %get3A_61 = arith.constant 0 : index
        %get3A_62 = arith.constant 0 : index
        %get3A_63 = vector.load %arg6[%get3A_60, %get3A_61, %get3A_62] : memref<1x1x1024xf32, #tpu.memory_space<vmem>>, vector<1x1x1024xf32>
        %get3A_64 = vector.shape_cast %get3A_63 : vector<1x1x1024xf32> to vector<1x1024xf32>
        %add3A_65 = vector.broadcast %get3A_64 : vector<1x1024xf32> to vector<128x1024xf32>
        %add3A_66 = arith.addf %dot_general3A_52, %add3A_65 : vector<128x1024xf32>
        %swap3A_67 = arith.index_cast %multiple_of3A : i32 to index
        %swap3A_68 = arith.constant 0 : index
        %swap3A_69 = vector.load %arg8[%swap3A_67, %swap3A_68] : memref<3072x1024xf32, #tpu.memory_space<vmem>>, vector<128x1024xf32>
        tpu.vector_store %arg8[%swap3A_67, %swap3A_68], %add3A_66 {strides = array<i32>} : memref<3072x1024xf32, #tpu.memory_space<vmem>>, vector<128x1024xf32>,
      } else {
      }
      %gt3A = arith.constant 0 : i32
      %gt3A_56 = arith.cmpi sgt, %arg0, %gt3A : i32
      %convert_element_type3A_57 = arith.extui %gt3A_56 : i1 to i32
      %cond3A_58 = arith.constant 0 : i32
      %cond3A_59 = arith.cmpi ne, %convert_element_type3A_57, %cond3A_58 : i32
      scf.if %cond3A_59 {
        %get3A_60 = arith.index_cast %multiple_of3A : i32 to index
        %get3A_61 = arith.constant 0 : index
        %get3A_62 = vector.load %arg8[%get3A_60, %get3A_61] : memref<3072x1024xf32, #tpu.memory_space<vmem>>, vector<128x1024xf32>
        %add3A_63 = arith.addf %get3A_62, %dot_general3A_52 : vector<128x1024xf32>
        %swap3A_64 = arith.index_cast %multiple_of3A : i32 to index
        %swap3A_65 = arith.constant 0 : index
        %swap3A_66 = vector.load %arg8[%swap3A_64, %swap3A_65] : memref<3072x1024xf32, #tpu.memory_space<vmem>>, vector<128x1024xf32>
        tpu.vector_store %arg8[%swap3A_64, %swap3A_65], %add3A_63 {strides = array<i32>} : memref<3072x1024xf32, #tpu.memory_space<vmem>>, vector<128x1024xf32>,
      } else {
      }
    }
    %while3A_27 = arith.constant 1 : i32
    scf.for %while3A_28 = %while3A_25 to %while3A_21 step %while3A_27  : i32 {
      %mul3A = arith.constant 128 : i32
      %mul3A_29 = arith.muli %while3A_28, %mul3A : i32
      %multiple_of3A = tpu.assume_multiple %mul3A_29, 128 : i32
      %get3A_30 = arith.index_cast %multiple_of3A : i32 to index
      %get3A_31 = arith.constant 0 : index
      %get3A_32 = vector.load %arg7[%get3A_30, %get3A_31] : memref<3072x1024xbf16, #tpu.memory_space<vmem>>, vector<128x1024xbf16>
      %get3A_33 = arith.constant 0 : index
      %get3A_34 = arith.constant 0 : index
      %get3A_35 = vector.load %arg9[%get3A_33, %get3A_34] : memref<1024x1024xbf16, #tpu.memory_space<vmem>>, vector<1024x1024xbf16>
      %dot_general3A = arith.constant dense<0.000000e+00> : vector<128x1024xf32>
      %dot_general3A_36 = tpu.matmul %get3A_32, %get3A_35, %dot_general3A {dimension_numbers = #tpu.dot_dimension_numbers<[1], [1], [0], [0], [0, 0, 1, 0], [], []>, transpose_lhs_hint = false} : vector<128x1024xbf16>, vector<1024x1024xbf16>, vector<128x1024xf32> -> vector<128x1024xf32>
      %get3A_37 = arith.constant 0 : index
      %get3A_38 = arith.constant 0 : index
      %get3A_39 = arith.constant 0 : index
      %get3A_40 = arith.constant 0 : index
      %get3A_41 = vector.load %arg4[%get3A_37, %get3A_38, %get3A_39, %get3A_40] : memref<1x1x1x1024xf32, #tpu.memory_space<vmem>>, vector<1x1x1x1024xf32>
      %get3A_42 = vector.shape_cast %get3A_41 : vector<1x1x1x1024xf32> to vector<1x1024xf32>
      %add3A_43 = vector.broadcast %get3A_42 : vector<1x1024xf32> to vector<128x1024xf32>
      %add3A_44 = arith.addf %dot_general3A_36, %add3A_43 : vector<128x1024xf32>
      %max3A = arith.constant 0.000000e+00 : f32
      %max3A_45 = vector.broadcast %max3A : f32 to vector<128x1024xf32>
      %max3A_46 = arith.maximumf %add3A_44, %max3A_45 : vector<128x1024xf32>
      %convert_element_type3A_47 = arith.truncf %max3A_46 : vector<128x1024xf32> to vector<128x1024xbf16>
      %get3A_48 = arith.constant 0 : index
      %get3A_49 = arith.constant 0 : index
      %get3A_50 = vector.load %arg10[%get3A_48, %get3A_49] : memref<1024x1024xbf16, #tpu.memory_space<vmem>>, vector<1024x1024xbf16>
      %dot_general3A_51 = arith.constant dense<0.000000e+00> : vector<128x1024xf32>
      %dot_general3A_52 = tpu.matmul %convert_element_type3A_47, %get3A_50, %dot_general3A_51 {dimension_numbers = #tpu.dot_dimension_numbers<[1], [1], [0], [0], [0, 0, 1, 0], [], []>, transpose_lhs_hint = false} : vector<128x1024xbf16>, vector<1024x1024xbf16>, vector<128x1024xf32> -> vector<128x1024xf32>
      %eq3A = arith.constant 0 : i32
      %eq3A_53 = arith.cmpi eq, %arg0, %eq3A : i32
      %convert_element_type3A_54 = arith.extui %eq3A_53 : i1 to i32
      %cond3A = arith.constant 0 : i32
      %cond3A_55 = arith.cmpi ne, %convert_element_type3A_54, %cond3A : i32
      scf.if %cond3A_55 {
        %get3A_60 = arith.constant 0 : index
        %get3A_61 = arith.constant 0 : index
        %get3A_62 = arith.constant 0 : index
        %get3A_63 = vector.load %arg6[%get3A_60, %get3A_61, %get3A_62] : memref<1x1x1024xf32, #tpu.memory_space<vmem>>, vector<1x1x1024xf32>
        %get3A_64 = vector.shape_cast %get3A_63 : vector<1x1x1024xf32> to vector<1x1024xf32>
        %add3A_65 = vector.broadcast %get3A_64 : vector<1x1024xf32> to vector<128x1024xf32>
        %add3A_66 = arith.addf %dot_general3A_52, %add3A_65 : vector<128x1024xf32>
        %swap3A_67 = arith.index_cast %multiple_of3A : i32 to index
        %swap3A_68 = arith.constant 0 : index
        %swap3A_69 = vector.load %arg8[%swap3A_67, %swap3A_68] : memref<3072x1024xf32, #tpu.memory_space<vmem>>, vector<128x1024xf32>
        tpu.vector_store %arg8[%swap3A_67, %swap3A_68], %add3A_66 {strides = array<i32>} : memref<3072x1024xf32, #tpu.memory_space<vmem>>, vector<128x1024xf32>,
      } else {
      }
      %gt3A = arith.constant 0 : i32
      %gt3A_56 = arith.cmpi sgt, %arg0, %gt3A : i32
      %convert_element_type3A_57 = arith.extui %gt3A_56 : i1 to i32
      %cond3A_58 = arith.constant 0 : i32
      %cond3A_59 = arith.cmpi ne, %convert_element_type3A_57, %cond3A_58 : i32
      scf.if %cond3A_59 {
        %get3A_60 = arith.index_cast %multiple_of3A : i32 to index
        %get3A_61 = arith.constant 0 : index
        %get3A_62 = vector.load %arg8[%get3A_60, %get3A_61] : memref<3072x1024xf32, #tpu.memory_space<vmem>>, vector<128x1024xf32>
        %add3A_63 = arith.addf %get3A_62, %dot_general3A_52 : vector<128x1024xf32>
        %swap3A_64 = arith.index_cast %multiple_of3A : i32 to index
        %swap3A_65 = arith.constant 0 : index
        %swap3A_66 = vector.load %arg8[%swap3A_64, %swap3A_65] : memref<3072x1024xf32, #tpu.memory_space<vmem>>, vector<128x1024xf32>
        tpu.vector_store %arg8[%swap3A_64, %swap3A_65], %add3A_63 {strides = array<i32>} : memref<3072x1024xf32, #tpu.memory_space<vmem>>, vector<128x1024xf32>,
      } else {
      }
    }
    return
  }
  func.func @transform_0(%arg0: i32, %arg1: i32, %arg2: memref<9xi32, #tpu.memory_space<smem>>) -> (i32, i32, i32) {
    %c0_i32 = arith.constant 0 : i32
    %c0_i32_0 = arith.constant 0 : i32
    return %arg1, %arg0, %c0_i32 : i32, i32, i32
  }
  func.func @transform_1(%arg0: i32, %arg1: i32, %arg2: memref<9xi32, #tpu.memory_space<smem>>) -> (i32, i32, i32, i32) {
    %c0_i32 = arith.constant 0 : i32
    %c0_i32_0 = arith.constant 0 : i32
    %c0_i32_1 = arith.constant 0 : i32
    return %arg1, %arg0, %c0_i32, %c0_i32_0 : i32, i32, i32, i32
  }
  func.func @transform_2(%arg0: i32, %arg1: i32, %arg2: memref<9xi32, #tpu.memory_space<smem>>) -> (i32, i32, i32) {
    %c0_i32 = arith.constant 0 : i32
    %c0_i32_0 = arith.constant 0 : i32
    return %arg1, %c0_i32, %arg0 : i32, i32, i32
  }
  func.func @transform_3(%arg0: i32, %arg1: i32, %arg2: memref<9xi32, #tpu.memory_space<smem>>) -> (i32, i32, i32) {
    %c0_i32 = arith.constant 0 : i32
    %c0_i32_0 = arith.constant 0 : i32
    %c0_i32_1 = arith.constant 0 : i32
    return %arg1, %c0_i32, %c0_i32_0 : i32, i32, i32
  }
  func.func @transform_4(%arg0: i32, %arg1: i32, %arg2: memref<9xi32, #tpu.memory_space<smem>>) -> (i32, i32) {
    %c0_i32 = arith.constant 0 : i32
    %c0_i32_0 = arith.constant 0 : i32
    %c0_i32_1 = arith.constant 0 : i32
    return %c0_i32, %c0_i32_0 : i32, i32
  }
  func.func @transform_5(%arg0: i32, %arg1: i32, %arg2: memref<9xi32, #tpu.memory_space<smem>>) -> (i32, i32) {
    %c0_i32 = arith.constant 0 : i32
    %c0_i32_0 = arith.constant 0 : i32
    %c0_i32_1 = arith.constant 0 : i32
    return %c0_i32, %c0_i32_0 : i32, i32
  }
}

module attributes {stable_mosaic.version = 14 : i64} {
  func.func @_resid_body(%arg0: i32, %arg1: memref<128x1024xf32, #tpu.memory_space<vmem>>, %arg2: memref<128x1024xf32, #tpu.memory_space<vmem>>, %arg3: memref<128x1xf32, #tpu.memory_space<vmem>>, %arg4: memref<128x1024xf32, #tpu.memory_space<vmem>>) attributes {dimension_semantics = [#tpu.dimension_semantics<arbitrary>], iteration_bounds = array<i64: 16>, scalar_prefetch = 0 : i64, scratch_operands = 0 : i64, tpu.core_type = #tpu.core_type<tc>, window_params = [{transform_indices = @transform_0, window_bounds = array<i64: 128, 1024>}, {transform_indices = @transform_1, window_bounds = array<i64: 128, 1024>}, {transform_indices = @transform_2, window_bounds = array<i64: 128, 1>}, {transform_indices = @transform_3, window_bounds = array<i64: 128, 1024>}]} {
    %get3A = arith.constant 0 : index
    %get3A_0 = arith.constant 0 : index
    %get3A_1 = vector.load %arg1[%get3A, %get3A_0] : memref<128x1024xf32, #tpu.memory_space<vmem>>, vector<128x1024xf32>
    %get3A_2 = arith.constant 0 : index
    %get3A_3 = arith.constant 0 : index
    %get3A_4 = vector.load %arg3[%get3A_2, %get3A_3] : memref<128x1xf32, #tpu.memory_space<vmem>>, vector<128x1xf32>
    %get3A_5 = arith.constant 0 : index
    %get3A_6 = arith.constant 0 : index
    %get3A_7 = vector.load %arg2[%get3A_5, %get3A_6] : memref<128x1024xf32, #tpu.memory_space<vmem>>, vector<128x1024xf32>
    %mul3A = vector.broadcast %get3A_4 : vector<128x1xf32> to vector<128x1024xf32>
    %mul3A_8 = arith.mulf %mul3A, %get3A_7 : vector<128x1024xf32>
    %add3A = arith.addf %get3A_1, %mul3A_8 : vector<128x1024xf32>
    %swap3A = arith.constant 0 : index
    %swap3A_9 = arith.constant 0 : index
    %swap3A_10 = vector.load %arg4[%swap3A, %swap3A_9] : memref<128x1024xf32, #tpu.memory_space<vmem>>, vector<128x1024xf32>
    tpu.vector_store %arg4[%swap3A, %swap3A_9], %add3A {strides = array<i32>} : memref<128x1024xf32, #tpu.memory_space<vmem>>, vector<128x1024xf32>,
    return
  }
  func.func @transform_0(%arg0: i32) -> (i32, i32) {
    %c0_i32 = arith.constant 0 : i32
    %c0_i32_0 = arith.constant 0 : i32
    return %arg0, %c0_i32 : i32, i32
  }
  func.func @transform_1(%arg0: i32) -> (i32, i32) {
    %c0_i32 = arith.constant 0 : i32
    %c0_i32_0 = arith.constant 0 : i32
    return %arg0, %c0_i32 : i32, i32
  }
  func.func @transform_2(%arg0: i32) -> (i32, i32) {
    %c0_i32 = arith.constant 0 : i32
    %c0_i32_0 = arith.constant 0 : i32
    return %arg0, %c0_i32 : i32, i32
  }
  func.func @transform_3(%arg0: i32) -> (i32, i32) {
    %c0_i32 = arith.constant 0 : i32
    %c0_i32_0 = arith.constant 0 : i32
    return %arg0, %c0_i32 : i32, i32
  }
}

</mosaic_0001>

<sc_bundles>
// kernel: kernel.12.cloned.1.call-start
scs
__scs_entry_jumppad:
0x0: {  	(pc) =	sbr.rel $0x88, $3  }
0x1: {  	(tag) =	ssettag $0x0;
	lr =	simm.s32 $0x1  }
0x2: {  	[smem:$0x3F99] =	sst lr;
	_ =	strace $0xD0000000  }
0x3: {  	_ = 	snop  }
0x4: {  	_ = 	snop  }
0x5: {  	_ = 	snop  }
0x6: {  	_ = 	snop  }
0x7: {  	_ = 	snop  }
__scs_overlays_trampoline_lowered:
0x8: {  	[smem:$0x3FA8] =	sst s0  }
0x9: {  	[smem:$0x3FA9] =	sst s1  }
0xa: {  	[smem:$0x3FAA] =	sst s2  }
0xb: {  	[smem:$0x3FAB] =	sst s3  }
0xc: {  	[smem:$0x3FAC] =	sst s4  }
0xd: {  	[smem:$0x3FAD] =	sst s5  }
0xe: {  	[smem:$0x3FAE] =	sst s6  }
0xf: {  	[smem:$0x3FAF] =	sst s7  }
0x10: {  	[smem:$0x3FB0] =	sst s8  }
0x11: {  	[smem:$0x3FB1] =	sst s9;
	s0 =	simm.s32 @!p0 $0x0  }
0x12: {  	s1 =	sld [smem:$0x3F97];
	s0 =	simm.s32 @p0 $0x1  }
0x13: {  	[smem:$0x3FB2] =	sst s0;
	s0 =	simm.s32 @!p1 $0x0  }
0x14: {  	s2 =	sld [smem:$0x3F96];
	s0 =	simm.s32 @p1 $0x1  }
0x15: {  	[smem:$0x3FB3] =	sst s0;
	s0 =	simm.s32 @!p2 $0x0  }
0x16: {  	s3 =	sld [smem:$0x3FDB];
	s0 =	simm.s32 @p2 $0x1  }
0x17: {  	s4 =	simm.s32 $0x1BF5;
	[smem:$0x3FB5] =	sst s0  }
0x18: {  	s0 =	sld [smem:$0x3F98];
	_ =	swait.ge [sflag:s4], $0x0  }
0x19: {  	s7 =	sld [smem:$0x3F99]  }
0x1a: {  	s8 =	sadd.s32 $0xFFFFE003, lr  }
0x1b: {  	s9 =	sadd.s32 $0xFFFFFEF7, lr;
	s5 =	simm.s32 $0xFFFFFFFF;
	p2 =	slt.u32 s8, $0xFFFFF086  }
0x1c: {  	p1 =	slt.u32 s9, $0xF7A;
	s5 =	simm.s32 @!p2 $0x0  }
0x1d: {  	s5 =	simm.s32 @p1 $0x1;
	p0 =	seq.s32 s7, s2  }
0x1e: {  	s7 =	smul.u32 @!p0 $0xF7A, s2;
	p2 =	seq.s32 @!p0 s5, $0x0  }
0x1f: {  	s9 =	smul.u32 $0xF7A, s1;
	s8 =	simm.s32 @!p0 $0x1BF5;
	p2 =	por !p2, p0  }
0x20: {  	[sflag:s8] =	ssyncset.s32 @!p0 $0xFFFFF086;
	s6 =	sadd.s32 @!p0 s3, s7;
	s7 =	simm.s32 @!p0 $0x108  }
0x21: {  	s3 =	sadd.s32 s3, s9;
	s6 =	sadd.s32 @!p0 $0x88, s6;
	s7 =	simm.s32 @p2 $0x1082  }
0x22: {  	[simem:s7], [sflag:s8] =	dma.local @!p0 [hbm:s6], $0xF7A  }
0x23: {  	s9 =	sor.u32 $0xD0000000, s2;
	s6 =	simm.s32 $0x108;
	_ =	swait.ge @!p0 [sflag:s8], $0x0  }
0x24: {  	s3 =	sadd.s32 $0x88, s3;
	s6 =	simm.s32 @!p1 $0x1082;
	[sflag:s4] =	ssyncset.s32 $0xFFFFF086  }
0x25: {  	[simem:s6], [sflag:s4] =	dma.local [hbm:s3], $0xF7A  }
0x26: {  	[smem:$0x3F99] =	sst s1;
	(tag) =	ssettag s2;
	_ =	strace s9  }
0x27: {  	s1 =	sld [smem:$0x3FA9]  }
0x28: {  	s2 =	sld [smem:$0x3FAA]  }
0x29: {  	s4 =	sld [smem:$0x3FAC]  }
0x2a: {  	p0 =	seq.s32 s5, $0x0;
	s5 =	sld [smem:$0x3FAD]  }
0x2b: {  	s6 =	sld [smem:$0x3FAE]  }
0x2c: {  	s7 =	sld [smem:$0x3FAF]  }
0x2d: {  	s3 =	simm.s32 $0x108;
	s8 =	sld [smem:$0x3FB0]  }
0x2e: {  	s3 =	simm.s32 @!p0 $0x1082;
	s9 =	sld [smem:$0x3FB1]  }
0x2f: {  	lr =	sadd.s32 s0, s3;
	s0 =	sld [smem:$0x3FA8]  }
0x30: {  	s3 =	sld [smem:$0x3FAB]  }
0x31: {  	[smem:$0x3FB4] =	sst s10  }
0x32: {  	s10 =	sld [smem:$0x3FB2];
	_ =	sdelay $0x3  }
0x33: {  	p0 =	seq.s32 s10, $0x1;
	s10 =	sld [smem:$0x3FB4];
	_ =	sdelay $0x3  }
0x34: {  	[smem:$0x3FB4] =	sst s10  }
0x35: {  	s10 =	sld [smem:$0x3FB3];
	_ =	sdelay $0x3  }
0x36: {  	p1 =	seq.s32 s10, $0x1;
	s10 =	sld [smem:$0x3FB4];
	_ =	sdelay $0x3  }
0x37: {  	[smem:$0x3FB4] =	sst s10  }
0x38: {  	s10 =	sld [smem:$0x3FB5]  }
0x39: {  	_ = 	snop;
	(pc) =	sbr.ind lr, $3  }
0x3a: {  	_ = 	snop  }
0x3b: {  	_ = 	snop  }
0x3c: {  	p2 =	seq.s32 s10, $0x1;
	s10 =	sld [smem:$0x3FB4]  }
0x3d: {  	_ =	shalt  }
0x3e: {  	_ =	shalt  }
0x3f: {  	_ =	shalt  }
0x40: {  	_ =	shalt  }
0x41: {  	_ =	shalt  }
0x42: {  	_ =	shalt  }
0x43: {  	_ =	shalt  }
0x44: {  	_ =	shalt  }
0x45: {  	_ =	shalt  }
0x46: {  	_ =	shalt  }
0x47: {  	_ =	shalt  }
0x48: {  	_ =	shalt  }
0x49: {  	_ =	shalt  }
0x4a: {  	_ =	shalt  }
0x4b: {  	_ =	shalt  }
0x4c: {  	_ =	shalt  }
0x4d: {  	_ =	shalt  }
0x4e: {  	_ =	shalt  }
0x4f: {  	_ =	shalt  }
0x50: {  	_ =	shalt  }
0x51: {  	_ =	shalt  }
0x52: {  	_ =	shalt  }
0x53: {  	_ =	shalt  }
0x54: {  	_ =	shalt  }
0x55: {  	_ =	shalt  }
0x56: {  	_ =	shalt  }
0x57: {  	_ =	shalt  }
0x58: {  	_ =	shalt  }
0x59: {  	_ =	shalt  }
0x5a: {  	_ =	shalt  }
0x5b: {  	_ =	shalt  }
0x5c: {  	_ =	shalt  }
0x5d: {  	_ =	shalt  }
0x5e: {  	_ =	shalt  }
0x5f: {  	_ =	shalt  }
0x60: {  	_ =	shalt  }
0x61: {  	_ =	shalt  }
0x62: {  	_ =	shalt  }
0x63: {  	_ =	shalt  }
0x64: {  	_ =	shalt  }
0x65: {  	_ =	shalt  }
0x66: {  	_ =	shalt  }
0x67: {  	_ =	shalt  }
0x68: {  	_ =	shalt  }
0x69: {  	_ =	shalt  }
0x6a: {  	_ =	shalt  }
0x6b: {  	_ =	shalt  }
0x6c: {  	_ =	shalt  }
0x6d: {  	_ =	shalt  }
0x6e: {  	_ =	shalt  }
0x6f: {  	_ =	shalt  }
0x70: {  	_ =	shalt  }
0x71: {  	_ =	shalt  }
0x72: {  	_ =	shalt  }
0x73: {  	_ =	shalt  }
0x74: {  	_ =	shalt  }
0x75: {  	_ =	shalt  }
0x76: {  	_ =	shalt  }
0x77: {  	_ =	shalt  }
0x78: {  	_ =	shalt  }
0x79: {  	_ =	shalt  }
0x7a: {  	_ =	shalt  }
0x7b: {  	_ =	shalt  }
0x7c: {  	_ =	shalt  }
0x7d: {  	_ =	shalt  }
0x7e: {  	_ =	shalt  }
0x7f: {  	_ =	shalt  }
0x80: {  	_ =	shalt  }
0x81: {  	_ =	shalt  }
0x82: {  	_ =	shalt  }
0x83: {  	_ =	shalt  }
0x84: {  	_ =	shalt  }
0x85: {  	_ =	shalt  }
0x86: {  	_ =	shalt  }
0x87: {  	_ =	shalt  }
.Lfunc_end0:
.L_simem_size_0:
called_computation.1_lowered:
.L_overlay_start_0:
0x88: {  	s2 =	sld [smem:$0x3FD9]  }
0x89: {  	s3 =	sld [smem:$0x3FFE];
	_ =	sdelay $0x1  }
0x8a: {  	s1 =	srdreg.scid  }
0x8b: {  	s0 =	sand.u32 $0x1, s1  }
0x8c: {  	s17 =	sshll.u32 s0, $0xA;
	s2 =	sadd.s32 s3, s2  }
0x8d: {  	s2 =	sadd.s32 s2, s17  }
0x8e: {  	[smem:$0x3FC0] =	sst s2  }
0x8f: {  	_ = 	snop  }
0x90: {  	s2 =	sld [smem:$0x3FD0];
	(tm) =	ssettm $0x1  }
0x91: {  	s18 =	sld [smem:$0x3FFB];
	_ =	sdelay $0x3  }
0x92: {  	_ =	strace s18  }
0x93: {  	s3 =	sld [smem:$0x3FFC];
	_ =	sdelay $0x3  }
0x94: {  	_ =	strace s3  }
0x95: {  	s3 =	sld [smem:$0x3FFD];
	_ =	sdelay $0x3  }
0x96: {  	_ =	strace s3  }
0x97: {  	_ =	strace $0x8FFFFFFF  }
0x98: {  	s19 =	sld [smem:$0x3FDB];
	_ =	sdelay $0x1  }
0x99: {  	s4 =	simm.s32 $_scs_section_size  }
0x9a: {  	s5 =	simm.s32 $_size__tile_overlayer_lowered;
	s6 =	simm.s32 $_tile_overlayer_lowered  }
0x9b: {  	s22 =	simm.s32 $0x1BFF;
	s21 =	sshll.u32 s6, $0x1;
	s3 =	sadd.s32 s4, s19  }
0x9c: {  	s7 =	simm.s32 $0x0;
	s20 =	sshll.u32 s5, $0x1;
	s5 =	sadd.s32 s21, s3  }
0x9d: {  	[timem:s7], [sflag:s22] =	dma.local [hbm:s5], s20  }
0x9e: {  	_ =	swait.ge [sflag:s22], s20  }
0x9f: {  	s4 =	ssub.s32 $0x0, s20;
	[sflag:s22] =	ssyncset.done $0x0  }
0xa0: {  	[sflag:s22] =	ssyncadd.s32 s4;
	_ =	sdelay $0x1  }
0xa1: {  	s23 =	simm.s32 $0x1B8B  }
0xa2: {  	_ =	swait.ge [sflag:s23], $0x1  }
0xa3: {  	[sflag:s23] =	ssyncset.done $0x0  }
0xa4: {  	s25 =	simm.s32 $0x1B8E;
	s24 =	sld [smem:$0x3FFE];
	[sflag:s23] =	ssyncadd.s32 $0xFFFFFFFF  }
0xa5: {  	s26 =	simm.s32 $execute0_lowered;
	[smem:$0x3FD2] =	sst s25  }
0xa6: {  	s5 =	sshll.u32 s26, $0x1;
	_ =	strace $0x80000049;
	[dreg:$0x1] =	wrdreg $0xFFFFFFFF  }
0xa7: {  	s28 =	simm.s32 $_size_execute0_lowered;
	s3 =	sadd.s32 s3, s5;
	[dreg:$0x0] =	wrdreg $0x0  }
0xa8: {  	s5 =	sshll.u32 s28, $0x1;
	[dreg:$0x2] =	wrdreg s3  }
0xa9: {  	[dreg:$0x3] =	wrdreg s5  }
0xaa: {  	[dreg:$0x4] =	wrdreg $0xC0  }
0xab: {  	_ =	task [dreg:s7], $0x5FFFF  }
0xac: {  	[dreg:$0x1] =	wrdreg $0xFFFFFFFF  }
0xad: {  	[dreg:$0x0] =	wrdreg $0x60  }
0xae: {  	[dreg:$0x2] =	wrdreg s24  }
0xaf: {  	[dreg:$0x3] =	wrdreg s2  }
0xb0: {  	[dreg:$0x4] =	wrdreg $0x9  }
0xb1: {  	_ =	task.clear_ibuf [dreg:s7], $0x5FFFF;
	_ =	strace $0x90000049  }
0xb2: {  	s29 =	simm.s32 $0x9;
	_ =	strace $0x8000004B  }
0xb3: {  	_ =	swait.ge [sflag:s29], $0x1  }
0xb4: {  	[sflag:s29] =	ssyncadd.s32 $0xFFFFFFFF  }
0xb5: {  	_ =	strace $0x9000004B  }
0xb6: {  	_ =	sfence  }
0xb7: {  	s30 =	sld [smem:$0x0];
	_ =	sdelay $0x2  }
0xb8: {  	s31 =	sshll.u32 s1, $0xD;
	s1 =	sshrl.u32 s1, $0x2  }
0xb9: {  	s3 =	sand.u32 $0x4000, s31;
	s1 =	sadd.s32 s1, s30  }
0xba: {  	s0 =	sor.u32 s3, s0;
	s1 =	sshll.u32 s1, $0x11  }
0xbb: {  	s0 =	sor.u32 s1, s0  }
0xbc: {  	s0 =	sadd.s32 $0x8F2B, s0  }
0xbd: {  	[sflag:s0] =	ssyncadd.remote.s32 $0x1  }
0xbe: {  	_ =	sfence.sel $0xFFFF  }
0xbf: {  	[dreg:$0x0] =	wrdreg $0xFFFFFFFF;
	(pc) =	sbr.abs _section_cstart, $3  }
0xc0: {  	[dreg:$0x1] =	wrdreg $0xFFFFFFFF  }
0xc1: {  	_ =	task.clear_ibuf [dreg:s7], $0x2FFFF;
	_ =	strace $0x9FFFFFFF  }
0xc2: {  	(tm) =	ssettm $0x7FFFFFFF  }
0xc3: {  	_ =	shalt  }
tec
execute0_lowered:
.L_overlay_start_1:
0x0: {  	(tag) =	ssettag $0x1  }
0x1: {  	s1 =	srdreg.scid;
	s6 =	rddreg [dreg:$0x0]  }
0x2: {  	s0 =	stileid.u32;
	s4 =	rddreg [dreg:$0x1]  }
0x3: {  	s19 =	simm.s32 $0x880;
	s20 =	simm.s32 $0x1080;
	s22 =	simm.s32 $0x1880  }
0x4: {  	s23 =	simm.s32 $0x2080;
	s7 =	simm.s32 $0x2880;
	s24 =	simm.s32 $0x3080  }
0x5: {  	s8 =	simm.s32 $0x3880;
	s25 =	simm.s32 $0x4080;
	s26 =	simm.s32 $0x4880  }
0x6: {  	s9 =	simm.s32 $0x80;
	s11 =	simm.s32 $0x5880;
	s12 =	simm.s32 $0x6080  }
0x7: {  	s13 =	simm.s32 $0x6880;
	s14 =	simm.s32 $0x7080;
	s1 =	sand.u32 $0x1, s1  }
0x8: {  	s15 =	simm.s32 $0x7880;
	s2 =	sshll.u32 s0, $0x7;
	s3 =	sshll.u32 s1, $0x6  }
0x9: {  	s16 =	simm.s32 $0x8080;
	s3 =	sor.u32 s3, s2;
	s2 =	simm.s32 $0x0  }
0xa: {  	s17 =	simm.s32 $0x8880;
	s18 =	simm.s32 $0x9080;
	[smem:$0x7FF] =	sst s2  }
0xb: {  	s28 =	simm.s32 $0xD880;
	_ =	strace $0x8000004A;
	[dreg:$0x5] =	wrdreg s19  }
0xc: {  	s29 =	simm.s32 $0xE080;
	s30 =	simm.s32 $0xE880;
	[dreg:$0x6] =	wrdreg s20  }
0xd: {  	s31 =	simm.s32 $0xF080;
	s1 =	ssub.s32 $0x2, s1;
	[dreg:$0x7] =	wrdreg s22  }
0xe: {  	s21 =	sshrl.u32 s1, $0x1;
	s5 =	sshrl.u32 s3, $0x3;
	[dreg:$0x8] =	wrdreg s23  }
0xf: {  	s3 =	sshll.u32 s3, $0x7;
	s1 =	ssub.s32 s1, s21;
	[dreg:$0x9] =	wrdreg s7  }
0x10: {  	s21 =	simm.s32 $0xA880;
	s5 =	sadd.s32 s5, s6;
	[dreg:$0xa] =	wrdreg s24  }
0x11: {  	s4 =	sadd.s32 s4, s3;
	s3 =	sadd.s32 $0x2600, s6;
	[dreg:$0xb] =	wrdreg s8  }
0x12: {  	s7 =	smax.u32 s1, $0x1;
	s8 =	simm.s32 $0x1;
	[dreg:$0xc] =	wrdreg s25  }
0x13: {  	[dreg:$0xd] =	wrdreg s26;
	s19 =	simm.s32 $0x9880;
	s20 =	simm.s32 $0xA080  }
0x14: {  	s22 =	simm.s32 $0xB080;
	s23 =	simm.s32 $0xB880;
	s24 =	simm.s32 $0xC080  }
0x15: {  	v2 =	vlaneseq.u32;
	s25 =	simm.s32 $0xC880;
	s26 =	simm.s32 $0xD080;
	s1 =	simm.s32 $0xF880  }
0x16: {  	vm0 =	vmmov $0xffff;
	v1 =	vshrl.u32 v2, $0x3;
	s5 =	sadd.s32 $0x2200, s5;
	[dreg:$0x4] =	wrdreg s4;
	s4 =	sadd.s32 $0x2700, s6  }
0x17: {  	v0 =	vand.u32 $0x7, v2;
	v2 =	vor.u32 $0x8, v2;
	v1 =	vmul.u32 $0x8, v1;
	[dreg:$0x3] =	wrdreg s5;
	s5 =	sadd.s32 $0x2800, s6;
	s6 =	sadd.s32 $0x2900, s6  }
.LBB2_1:
0x18: {  	s0 =	rddreg [dreg:$0x3]  }
0x19: {  	[tilespmem:s2], [sflag:$0x1] =	stream.linear.gather [hbm4b:s0+s2], $0x40, $0x38;
	[tilespmem:$0x10080] =	vst v63  }
0x1a: {  	_ =	swait.ge [sflag:s8], $0x40  }
0x1b: {  	[sflag:s8] =	ssyncset.done $0x0  }
0x1c: {  	[sflag:s8] =	ssyncadd.s32 $0xFFFFFFC0  }
0x1d: {  	v3 =	vld [tilespmem:$0x0];
	_ =	sdelay $0x4  }
0x1e: {  	v4 =	vshll.u32 v3, $0x3  }
0x1f: {  	v3 =	vand.u32 $0x7, v3;
	v4 =	vand.u32 $0xFFFFFFC0, v4  }
0x20: {  	v3 =	vor.u32 v3, v4  }
0x21: {  	v4 =	vperm.xlane v3, v0;
	_ =	sdelay $0x1  }
0x22: {  	v4 =	vadd.s32 v1, v4;
	_ =	sdelay $0x4  }
0x23: {  	[tilespmem:s9], [sflag:$0x1] =	stream.indirect_vreg.gather [hbm4b:s3+s2], $0x80, v4, vm0, $0xb8;
	[tilespmem:$0x10080] =	vst v63  }
0x24: {  	s0 =	rddreg [dreg:$0x5];
	v3 =	vperm.xlane v3, v2  }
0x25: {  	[tilespmem:s0], [sflag:$0x1] =	stream.indirect_vreg.gather [hbm4b:s4+s2], $0x80, v4, vm0, $0xb8;
	[tilespmem:$0x10080] =	vst v63  }
0x26: {  	s10 =	rddreg [dreg:$0x6];
	v3 =	vadd.s32 v1, v3  }
0x27: {  	[tilespmem:s10], [sflag:$0x1] =	stream.indirect_vreg.gather [hbm4b:s5+s2], $0x80, v4, vm0, $0xb8;
	[tilespmem:$0x10080] =	vst v63  }
0x28: {  	s0 =	rddreg [dreg:$0x7]  }
0x29: {  	[tilespmem:s0], [sflag:$0x1] =	stream.indirect_vreg.gather [hbm4b:s6+s2], $0x80, v4, vm0, $0xb8;
	[tilespmem:$0x10080] =	vst v63  }
0x2a: {  	s10 =	rddreg [dreg:$0x8]  }
0x2b: {  	[tilespmem:s10], [sflag:$0x1] =	stream.indirect_vreg.gather [hbm4b:s3+s2], $0x80, v3, vm0, $0xb8;
	[tilespmem:$0x10080] =	vst v63  }
0x2c: {  	s0 =	rddreg [dreg:$0x9]  }
0x2d: {  	[tilespmem:s0], [sflag:$0x1] =	stream.indirect_vreg.gather [hbm4b:s4+s2], $0x80, v3, vm0, $0xb8;
	[tilespmem:$0x10080] =	vst v63  }
0x2e: {  	s10 =	rddreg [dreg:$0xa]  }
0x2f: {  	[tilespmem:s10], [sflag:$0x1] =	stream.indirect_vreg.gather [hbm4b:s5+s2], $0x80, v3, vm0, $0xb8;
	[tilespmem:$0x10080] =	vst v63  }
0x30: {  	s0 =	rddreg [dreg:$0xb]  }
0x31: {  	[tilespmem:s0], [sflag:$0x1] =	stream.indirect_vreg.gather [hbm4b:s6+s2], $0x80, v3, vm0, $0xb8;
	[tilespmem:$0x10080] =	vst v63  }
0x32: {  	v3 =	vld [tilespmem:$0x10];
	_ =	sdelay $0x4  }
0x33: {  	v61 =	vshll.u32 v3, $0x3  }
0x34: {  	v3 =	vand.u32 $0x7, v3;
	v4 =	vand.u32 $0xFFFFFFC0, v61  }
0x35: {  	v3 =	vor.u32 v3, v4  }
0x36: {  	v4 =	vperm.xlane v3, v0;
	_ =	sdelay $0x1  }
0x37: {  	v4 =	vadd.s32 v1, v4;
	_ =	sdelay $0x3  }
0x38: {  	s0 =	rddreg [dreg:$0xc]  }
0x39: {  	[tilespmem:s0], [sflag:$0x1] =	stream.indirect_vreg.gather [hbm4b:s3+s2], $0x80, v4, vm0, $0xb8;
	[tilespmem:$0x10080] =	vst v63  }
0x3a: {  	s10 =	rddreg [dreg:$0xd];
	v3 =	vperm.xlane v3, v2  }
0x3b: {  	[tilespmem:s10], [sflag:$0x1] =	stream.indirect_vreg.gather [hbm4b:s4+s2], $0x80, v4, vm0, $0xb8;
	[tilespmem:$0x10080] =	vst v63  }
0x3c: {  	v3 =	vadd.s32 v1, v3;
	s10 =	simm.s32 $0x5080  }
0x3d: {  	[tilespmem:s10], [sflag:$0x1] =	stream.indirect_vreg.gather [hbm4b:s5+s2], $0x80, v4, vm0, $0xb8;
	[tilespmem:$0x10080] =	vst v63  }
0x3e: {  	_ = 	snop  }
0x3f: {  	[tilespmem:s11], [sflag:$0x1] =	stream.indirect_vreg.gather [hbm4b:s6+s2], $0x80, v4, vm0, $0xb8;
	[tilespmem:$0x10080] =	vst v63  }
0x40: {  	_ = 	snop  }
0x41: {  	[tilespmem:s12], [sflag:$0x1] =	stream.indirect_vreg.gather [hbm4b:s3+s2], $0x80, v3, vm0, $0xb8;
	[tilespmem:$0x10080] =	vst v63  }
0x42: {  	_ = 	snop  }
0x43: {  	[tilespmem:s13], [sflag:$0x1] =	stream.indirect_vreg.gather [hbm4b:s4+s2], $0x80, v3, vm0, $0xb8;
	[tilespmem:$0x10080] =	vst v63  }
0x44: {  	_ = 	snop  }
0x45: {  	[tilespmem:s14], [sflag:$0x1] =	stream.indirect_vreg.gather [hbm4b:s5+s2], $0x80, v3, vm0, $0xb8;
	[tilespmem:$0x10080] =	vst v63  }
0x46: {  	_ = 	snop  }
0x47: {  	[tilespmem:s15], [sflag:$0x1] =	stream.indirect_vreg.gather [hbm4b:s6+s2], $0x80, v3, vm0, $0xb8;
	[tilespmem:$0x10080] =	vst v63  }
0x48: {  	v3 =	vld [tilespmem:$0x20];
	_ =	sdelay $0x4  }
0x49: {  	v62 =	vshll.u32 v3, $0x3  }
0x4a: {  	v3 =	vand.u32 $0x7, v3;
	v4 =	vand.u32 $0xFFFFFFC0, v62  }
0x4b: {  	v3 =	vor.u32 v3, v4  }
0x4c: {  	v4 =	vperm.xlane v3, v0;
	_ =	sdelay $0x1  }
0x4d: {  	v4 =	vadd.s32 v1, v4;
	_ =	sdelay $0x4  }
0x4e: {  	[tilespmem:s16], [sflag:$0x1] =	stream.indirect_vreg.gather [hbm4b:s3+s2], $0x80, v4, vm0, $0xb8;
	[tilespmem:$0x10080] =	vst v63  }
0x4f: {  	v3 =	vperm.xlane v3, v2  }
0x50: {  	[tilespmem:s17], [sflag:$0x1] =	stream.indirect_vreg.gather [hbm4b:s4+s2], $0x80, v4, vm0, $0xb8;
	[tilespmem:$0x10080] =	vst v63  }
0x51: {  	v3 =	vadd.s32 v1, v3  }
0x52: {  	[tilespmem:s18], [sflag:$0x1] =	stream.indirect_vreg.gather [hbm4b:s5+s2], $0x80, v4, vm0, $0xb8;
	[tilespmem:$0x10080] =	vst v63  }
0x53: {  	_ = 	snop  }
0x54: {  	[tilespmem:s19], [sflag:$0x1] =	stream.indirect_vreg.gather [hbm4b:s6+s2], $0x80, v4, vm0, $0xb8;
	[tilespmem:$0x10080] =	vst v63  }
0x55: {  	_ = 	snop  }
0x56: {  	[tilespmem:s20], [sflag:$0x1] =	stream.indirect_vreg.gather [hbm4b:s3+s2], $0x80, v3, vm0, $0xb8;
	[tilespmem:$0x10080] =	vst v63  }
0x57: {  	_ = 	snop  }
0x58: {  	[tilespmem:s21], [sflag:$0x1] =	stream.indirect_vreg.gather [hbm4b:s4+s2], $0x80, v3, vm0, $0xb8;
	[tilespmem:$0x10080] =	vst v63  }
0x59: {  	_ = 	snop  }
0x5a: {  	[tilespmem:s22], [sflag:$0x1] =	stream.indirect_vreg.gather [hbm4b:s5+s2], $0x80, v3, vm0, $0xb8;
	[tilespmem:$0x10080] =	vst v63  }
0x5b: {  	_ = 	snop  }
0x5c: {  	[tilespmem:s23], [sflag:$0x1] =	stream.indirect_vreg.gather [hbm4b:s6+s2], $0x80, v3, vm0, $0xb8;
	[tilespmem:$0x10080] =	vst v63  }
0x5d: {  	v3 =	vld [tilespmem:$0x30];
	_ =	sdelay $0x4  }
0x5e: {  	v63 =	vshll.u32 v3, $0x3  }
0x5f: {  	v3 =	vand.u32 $0x7, v3;
	v4 =	vand.u32 $0xFFFFFFC0, v63  }
0x60: {  	v3 =	vor.u32 v3, v4  }
0x61: {  	v4 =	vperm.xlane v3, v0;
	_ =	sdelay $0x1  }
0x62: {  	v4 =	vadd.s32 v1, v4;
	_ =	sdelay $0x4  }
0x63: {  	[tilespmem:s24], [sflag:$0x1] =	stream.indirect_vreg.gather [hbm4b:s3+s2], $0x80, v4, vm0, $0xb8;
	[tilespmem:$0x10080] =	vst v63  }
0x64: {  	v3 =	vperm.xlane v3, v2  }
0x65: {  	[tilespmem:s25], [sflag:$0x1] =	stream.indirect_vreg.gather [hbm4b:s4+s2], $0x80, v4, vm0, $0xb8;
	[tilespmem:$0x10080] =	vst v63  }
0x66: {  	v3 =	vadd.s32 v1, v3  }
0x67: {  	[tilespmem:s26], [sflag:$0x1] =	stream.indirect_vreg.gather [hbm4b:s5+s2], $0x80, v4, vm0, $0xb8;
	[tilespmem:$0x10080] =	vst v63  }
0x68: {  	_ = 	snop  }
0x69: {  	[tilespmem:s28], [sflag:$0x1] =	stream.indirect_vreg.gather [hbm4b:s6+s2], $0x80, v4, vm0, $0xb8;
	[tilespmem:$0x10080] =	vst v63  }
0x6a: {  	_ = 	snop  }
0x6b: {  	[tilespmem:s29], [sflag:$0x1] =	stream.indirect_vreg.gather [hbm4b:s3+s2], $0x80, v3, vm0, $0xb8;
	[tilespmem:$0x10080] =	vst v63  }
0x6c: {  	_ = 	snop  }
0x6d: {  	[tilespmem:s30], [sflag:$0x1] =	stream.indirect_vreg.gather [hbm4b:s4+s2], $0x80, v3, vm0, $0xb8;
	[tilespmem:$0x10080] =	vst v63  }
0x6e: {  	_ = 	snop  }
0x6f: {  	[tilespmem:s31], [sflag:$0x1] =	stream.indirect_vreg.gather [hbm4b:s5+s2], $0x80, v3, vm0, $0xb8;
	[tilespmem:$0x10080] =	vst v63  }
0x70: {  	_ = 	snop  }
0x71: {  	[tilespmem:s1], [sflag:$0x1] =	stream.indirect_vreg.gather [hbm4b:s6+s2], $0x80, v3, vm0, $0xb8;
	[tilespmem:$0x10080] =	vst v63  }
0x72: {  	_ =	swait.ge [sflag:s8], $0x10000  }
0x73: {  	p0 =	sne.s32 s7, $0x1;
	[sflag:s8] =	ssyncset.done $0x0  }
.Ltmp0:
0x74: {  	s10 =	rddreg [dreg:$0x4];
	[sflag:s8] =	ssyncadd.s32 $0xFFFF0000;
	(pc) =	sbr.rel @p0 .LBB2_1-.Ltmp0, $4  }
0x75: {  	[hbm4b:s10+s2] =	stream.linear.scatter [tilespmem:s9], [sflag:$0x1], $0x10000, $0x38;
	[tilespmem:$0x10080] =	vst v63  }
0x76: {  	_ =	swait.ge [sflag:s8], $0x10000  }
0x77: {  	[sflag:s8] =	ssyncset.done $0x0  }
0x78: {  	s7 =	sadd.s32 $0xFFFFFFFF, s7;
	[sflag:s8] =	ssyncadd.s32 $0xFFFF0000  }
0x79: {  	_ =	sfence.sel $0x180000  }
0x7a: {  	[bflag:$0x0] =	sbarrier.arrive $0xFFFF  }
0x7b: {  	_ =	strace $0x9000004A  }
0x7c: {  	s0 =	stileid.u32;
	[bflag:$0x2] =	sbarrier.arrive $0xFFFF  }
0x7d: {  	p0 =	sne.s32 s0, $0x0;
	s0 =	rddreg [dreg:$0x2]  }
0x7e: {  	s0 =	sadd.s32 @!p0 $0x100000, s0  }
0x7f: {  	[sflag:s0] =	ssyncadd.tile.s32 @!p0 $0x1;
	_ =	shalt  }
.Lfunc_end2:
_tile_overlayer_lowered:
.L_overlay_start_2:
0x80: {  	(tag) =	ssettag $0x2  }
0x81: {  	s0 =	rddreg [dreg:$0x0];
	s2 =	stileid.u32  }
0x82: {  	s1 =	rddreg [dreg:$0x1];
	p0 =	sne.s32 s2, $0x0  }
0x83: {  	s3 =	rddreg [dreg:$0x2];
	[bflag:$0x3] =	sbarrier.arrive $0xFFFF;
	s2 =	simm.s32 @!p0 $0x1C01  }
0x84: {  	[timem:s3], [sflag:s2] =	dma.local @!p0 [hbm:s0], s1  }
0x85: {  	s0 =	simm.s32 @!p0 $0x1  }
0x86: {  	_ =	swait.ge @!p0 [sflag:s0], s1  }
0x87: {  	s1 =	ssub.s32 @!p0 $0x0, s1;
	[sflag:s0] =	ssyncset.done @!p0 $0x0  }
0x88: {  	[sflag:s0] =	ssyncadd.s32 @!p0 s1  }
0x89: {  	[bflag:$0x3] =	sbarrier.arrive $0xFFFF  }
0x8a: {  	_ =	shalt  }

// kernel: kernel.9.cloned.1.call-start
scs
__scs_entry_jumppad:
0x0: {  	(pc) =	sbr.rel $0x88, $3  }
0x1: {  	(tag) =	ssettag $0x0;
	lr =	simm.s32 $0x1  }
0x2: {  	[smem:$0x3F99] =	sst lr;
	_ =	strace $0xD0000000  }
0x3: {  	_ = 	snop  }
0x4: {  	_ = 	snop  }
0x5: {  	_ = 	snop  }
0x6: {  	_ = 	snop  }
0x7: {  	_ = 	snop  }
__scs_overlays_trampoline_lowered:
0x8: {  	[smem:$0x3FA8] =	sst s0  }
0x9: {  	[smem:$0x3FA9] =	sst s1  }
0xa: {  	[smem:$0x3FAA] =	sst s2  }
0xb: {  	[smem:$0x3FAB] =	sst s3  }
0xc: {  	[smem:$0x3FAC] =	sst s4  }
0xd: {  	[smem:$0x3FAD] =	sst s5  }
0xe: {  	[smem:$0x3FAE] =	sst s6  }
0xf: {  	[smem:$0x3FAF] =	sst s7  }
0x10: {  	[smem:$0x3FB0] =	sst s8  }
0x11: {  	[smem:$0x3FB1] =	sst s9;
	s0 =	simm.s32 @!p0 $0x0  }
0x12: {  	s1 =	sld [smem:$0x3F97];
	s0 =	simm.s32 @p0 $0x1  }
0x13: {  	[smem:$0x3FB2] =	sst s0;
	s0 =	simm.s32 @!p1 $0x0  }
0x14: {  	s2 =	sld [smem:$0x3F96];
	s0 =	simm.s32 @p1 $0x1  }
0x15: {  	[smem:$0x3FB3] =	sst s0;
	s0 =	simm.s32 @!p2 $0x0  }
0x16: {  	s3 =	sld [smem:$0x3FDB];
	s0 =	simm.s32 @p2 $0x1  }
0x17: {  	s4 =	simm.s32 $0x1BF5;
	[smem:$0x3FB5] =	sst s0  }
0x18: {  	s0 =	sld [smem:$0x3F98];
	_ =	swait.ge [sflag:s4], $0x0  }
0x19: {  	s7 =	sld [smem:$0x3F99]  }
0x1a: {  	s8 =	sadd.s32 $0xFFFFE003, lr  }
0x1b: {  	s9 =	sadd.s32 $0xFFFFFEF7, lr;
	s5 =	simm.s32 $0xFFFFFFFF;
	p2 =	slt.u32 s8, $0xFFFFF086  }
0x1c: {  	p1 =	slt.u32 s9, $0xF7A;
	s5 =	simm.s32 @!p2 $0x0  }
0x1d: {  	s5 =	simm.s32 @p1 $0x1;
	p0 =	seq.s32 s7, s2  }
0x1e: {  	s7 =	smul.u32 @!p0 $0xF7A, s2;
	p2 =	seq.s32 @!p0 s5, $0x0  }
0x1f: {  	s9 =	smul.u32 $0xF7A, s1;
	s8 =	simm.s32 @!p0 $0x1BF5;
	p2 =	por !p2, p0  }
0x20: {  	[sflag:s8] =	ssyncset.s32 @!p0 $0xFFFFF086;
	s6 =	sadd.s32 @!p0 s3, s7;
	s7 =	simm.s32 @!p0 $0x108  }
0x21: {  	s3 =	sadd.s32 s3, s9;
	s6 =	sadd.s32 @!p0 $0x88, s6;
	s7 =	simm.s32 @p2 $0x1082  }
0x22: {  	[simem:s7], [sflag:s8] =	dma.local @!p0 [hbm:s6], $0xF7A  }
0x23: {  	s9 =	sor.u32 $0xD0000000, s2;
	s6 =	simm.s32 $0x108;
	_ =	swait.ge @!p0 [sflag:s8], $0x0  }
0x24: {  	s3 =	sadd.s32 $0x88, s3;
	s6 =	simm.s32 @!p1 $0x1082;
	[sflag:s4] =	ssyncset.s32 $0xFFFFF086  }
0x25: {  	[simem:s6], [sflag:s4] =	dma.local [hbm:s3], $0xF7A  }
0x26: {  	[smem:$0x3F99] =	sst s1;
	(tag) =	ssettag s2;
	_ =	strace s9  }
0x27: {  	s1 =	sld [smem:$0x3FA9]  }
0x28: {  	s2 =	sld [smem:$0x3FAA]  }
0x29: {  	s4 =	sld [smem:$0x3FAC]  }
0x2a: {  	p0 =	seq.s32 s5, $0x0;
	s5 =	sld [smem:$0x3FAD]  }
0x2b: {  	s6 =	sld [smem:$0x3FAE]  }
0x2c: {  	s7 =	sld [smem:$0x3FAF]  }
0x2d: {  	s3 =	simm.s32 $0x108;
	s8 =	sld [smem:$0x3FB0]  }
0x2e: {  	s3 =	simm.s32 @!p0 $0x1082;
	s9 =	sld [smem:$0x3FB1]  }
0x2f: {  	lr =	sadd.s32 s0, s3;
	s0 =	sld [smem:$0x3FA8]  }
0x30: {  	s3 =	sld [smem:$0x3FAB]  }
0x31: {  	[smem:$0x3FB4] =	sst s10  }
0x32: {  	s10 =	sld [smem:$0x3FB2];
	_ =	sdelay $0x3  }
0x33: {  	p0 =	seq.s32 s10, $0x1;
	s10 =	sld [smem:$0x3FB4];
	_ =	sdelay $0x3  }
0x34: {  	[smem:$0x3FB4] =	sst s10  }
0x35: {  	s10 =	sld [smem:$0x3FB3];
	_ =	sdelay $0x3  }
0x36: {  	p1 =	seq.s32 s10, $0x1;
	s10 =	sld [smem:$0x3FB4];
	_ =	sdelay $0x3  }
0x37: {  	[smem:$0x3FB4] =	sst s10  }
0x38: {  	s10 =	sld [smem:$0x3FB5]  }
0x39: {  	_ = 	snop;
	(pc) =	sbr.ind lr, $3  }
0x3a: {  	_ = 	snop  }
0x3b: {  	_ = 	snop  }
0x3c: {  	p2 =	seq.s32 s10, $0x1;
	s10 =	sld [smem:$0x3FB4]  }
0x3d: {  	_ =	shalt  }
0x3e: {  	_ =	shalt  }
0x3f: {  	_ =	shalt  }
0x40: {  	_ =	shalt  }
0x41: {  	_ =	shalt  }
0x42: {  	_ =	shalt  }
0x43: {  	_ =	shalt  }
0x44: {  	_ =	shalt  }
0x45: {  	_ =	shalt  }
0x46: {  	_ =	shalt  }
0x47: {  	_ =	shalt  }
0x48: {  	_ =	shalt  }
0x49: {  	_ =	shalt  }
0x4a: {  	_ =	shalt  }
0x4b: {  	_ =	shalt  }
0x4c: {  	_ =	shalt  }
0x4d: {  	_ =	shalt  }
0x4e: {  	_ =	shalt  }
0x4f: {  	_ =	shalt  }
0x50: {  	_ =	shalt  }
0x51: {  	_ =	shalt  }
0x52: {  	_ =	shalt  }
0x53: {  	_ =	shalt  }
0x54: {  	_ =	shalt  }
0x55: {  	_ =	shalt  }
0x56: {  	_ =	shalt  }
0x57: {  	_ =	shalt  }
0x58: {  	_ =	shalt  }
0x59: {  	_ =	shalt  }
0x5a: {  	_ =	shalt  }
0x5b: {  	_ =	shalt  }
0x5c: {  	_ =	shalt  }
0x5d: {  	_ =	shalt  }
0x5e: {  	_ =	shalt  }
0x5f: {  	_ =	shalt  }
0x60: {  	_ =	shalt  }
0x61: {  	_ =	shalt  }
0x62: {  	_ =	shalt  }
0x63: {  	_ =	shalt  }
0x64: {  	_ =	shalt  }
0x65: {  	_ =	shalt  }
0x66: {  	_ =	shalt  }
0x67: {  	_ =	shalt  }
0x68: {  	_ =	shalt  }
0x69: {  	_ =	shalt  }
0x6a: {  	_ =	shalt  }
0x6b: {  	_ =	shalt  }
0x6c: {  	_ =	shalt  }
0x6d: {  	_ =	shalt  }
0x6e: {  	_ =	shalt  }
0x6f: {  	_ =	shalt  }
0x70: {  	_ =	shalt  }
0x71: {  	_ =	shalt  }
0x72: {  	_ =	shalt  }
0x73: {  	_ =	shalt  }
0x74: {  	_ =	shalt  }
0x75: {  	_ =	shalt  }
0x76: {  	_ =	shalt  }
0x77: {  	_ =	shalt  }
0x78: {  	_ =	shalt  }
0x79: {  	_ =	shalt  }
0x7a: {  	_ =	shalt  }
0x7b: {  	_ =	shalt  }
0x7c: {  	_ =	shalt  }
0x7d: {  	_ =	shalt  }
0x7e: {  	_ =	shalt  }
0x7f: {  	_ =	shalt  }
0x80: {  	_ =	shalt  }
0x81: {  	_ =	shalt  }
0x82: {  	_ =	shalt  }
0x83: {  	_ =	shalt  }
0x84: {  	_ =	shalt  }
0x85: {  	_ =	shalt  }
0x86: {  	_ =	shalt  }
0x87: {  	_ =	shalt  }
.Lfunc_end0:
.L_simem_size_0:
called_computation_lowered:
.L_overlay_start_0:
0x88: {  	s2 =	sld [smem:$0x3FD9]  }
0x89: {  	s3 =	sld [smem:$0x3FFE];
	_ =	sdelay $0x1  }
0x8a: {  	s1 =	srdreg.scid  }
0x8b: {  	s0 =	sand.u32 $0x1, s1  }
0x8c: {  	s17 =	sshll.u32 s0, $0xA;
	s2 =	sadd.s32 s3, s2  }
0x8d: {  	s2 =	sadd.s32 s2, s17  }
0x8e: {  	[smem:$0x3FC0] =	sst s2  }
0x8f: {  	_ = 	snop  }
0x90: {  	s2 =	sld [smem:$0x3FC9];
	(tm) =	ssettm $0x1  }
0x91: {  	s18 =	sld [smem:$0x3FFB];
	_ =	sdelay $0x3  }
0x92: {  	_ =	strace s18  }
0x93: {  	s3 =	sld [smem:$0x3FFC];
	_ =	sdelay $0x3  }
0x94: {  	_ =	strace s3  }
0x95: {  	s3 =	sld [smem:$0x3FFD];
	_ =	sdelay $0x3  }
0x96: {  	_ =	strace s3  }
0x97: {  	_ =	strace $0x8FFFFFFF  }
0x98: {  	s19 =	sld [smem:$0x3FDB];
	_ =	sdelay $0x1  }
0x99: {  	s4 =	simm.s32 $_scs_section_size  }
0x9a: {  	s5 =	simm.s32 $_size__tile_overlayer_lowered;
	s6 =	simm.s32 $_tile_overlayer_lowered  }
0x9b: {  	s22 =	simm.s32 $0x1BFF;
	s21 =	sshll.u32 s6, $0x1;
	s3 =	sadd.s32 s4, s19  }
0x9c: {  	s7 =	simm.s32 $0x0;
	s20 =	sshll.u32 s5, $0x1;
	s5 =	sadd.s32 s21, s3  }
0x9d: {  	[timem:s7], [sflag:s22] =	dma.local [hbm:s5], s20  }
0x9e: {  	_ =	swait.ge [sflag:s22], s20  }
0x9f: {  	s4 =	ssub.s32 $0x0, s20;
	[sflag:s22] =	ssyncset.done $0x0  }
0xa0: {  	[sflag:s22] =	ssyncadd.s32 s4;
	_ =	sdelay $0x1  }
0xa1: {  	s23 =	simm.s32 $0x1B8B  }
0xa2: {  	_ =	swait.ge [sflag:s23], $0x1  }
0xa3: {  	[sflag:s23] =	ssyncset.done $0x0  }
0xa4: {  	s25 =	simm.s32 $0x1B8E;
	s24 =	sld [smem:$0x3FFE];
	[sflag:s23] =	ssyncadd.s32 $0xFFFFFFFF  }
0xa5: {  	s26 =	simm.s32 $execute0_lowered;
	[smem:$0x3FD2] =	sst s25  }
0xa6: {  	s5 =	sshll.u32 s26, $0x1;
	_ =	strace $0x80000046;
	[dreg:$0x1] =	wrdreg $0xFFFFFFFF  }
0xa7: {  	s28 =	simm.s32 $_size_execute0_lowered;
	s3 =	sadd.s32 s3, s5;
	[dreg:$0x0] =	wrdreg $0x0  }
0xa8: {  	s5 =	sshll.u32 s28, $0x1;
	[dreg:$0x2] =	wrdreg s3  }
0xa9: {  	[dreg:$0x3] =	wrdreg s5  }
0xaa: {  	[dreg:$0x4] =	wrdreg $0xC0  }
0xab: {  	_ =	task [dreg:s7], $0x5FFFF  }
0xac: {  	[dreg:$0x1] =	wrdreg $0xFFFFFFFF  }
0xad: {  	[dreg:$0x0] =	wrdreg $0x60  }
0xae: {  	[dreg:$0x2] =	wrdreg s2  }
0xaf: {  	[dreg:$0x3] =	wrdreg s24  }
0xb0: {  	[dreg:$0x4] =	wrdreg $0x9  }
0xb1: {  	_ =	task.clear_ibuf [dreg:s7], $0x5FFFF;
	_ =	strace $0x90000046  }
0xb2: {  	s29 =	simm.s32 $0x9;
	_ =	strace $0x80000048  }
0xb3: {  	_ =	swait.ge [sflag:s29], $0x1  }
0xb4: {  	[sflag:s29] =	ssyncadd.s32 $0xFFFFFFFF  }
0xb5: {  	_ =	strace $0x90000048  }
0xb6: {  	_ =	sfence  }
0xb7: {  	s30 =	sld [smem:$0x0];
	_ =	sdelay $0x2  }
0xb8: {  	s31 =	sshll.u32 s1, $0xD;
	s1 =	sshrl.u32 s1, $0x2  }
0xb9: {  	s3 =	sand.u32 $0x4000, s31;
	s1 =	sadd.s32 s1, s30  }
0xba: {  	s0 =	sor.u32 s3, s0;
	s1 =	sshll.u32 s1, $0x11  }
0xbb: {  	s0 =	sor.u32 s1, s0  }
0xbc: {  	s0 =	sadd.s32 $0x8F2B, s0  }
0xbd: {  	[sflag:s0] =	ssyncadd.remote.s32 $0x1  }
0xbe: {  	_ =	sfence.sel $0xFFFF  }
0xbf: {  	[dreg:$0x0] =	wrdreg $0xFFFFFFFF;
	(pc) =	sbr.abs _section_cstart, $3  }
0xc0: {  	[dreg:$0x1] =	wrdreg $0xFFFFFFFF  }
0xc1: {  	_ =	task.clear_ibuf [dreg:s7], $0x2FFFF;
	_ =	strace $0x9FFFFFFF  }
0xc2: {  	(tm) =	ssettm $0x7FFFFFFF  }
0xc3: {  	_ =	shalt  }
tec
execute0_lowered:
.L_overlay_start_1:
0x0: {  	(tag) =	ssettag $0x1  }
0x1: {  	s1 =	srdreg.scid;
	s3 =	rddreg [dreg:$0x0]  }
0x2: {  	s0 =	stileid.u32;
	s6 =	rddreg [dreg:$0x1]  }
0x3: {  	s19 =	simm.s32 $0x880;
	s20 =	simm.s32 $0x1080;
	s22 =	simm.s32 $0x1880  }
0x4: {  	s23 =	simm.s32 $0x2080;
	s7 =	simm.s32 $0x2880;
	s24 =	simm.s32 $0x3080  }
0x5: {  	s8 =	simm.s32 $0x3880;
	s25 =	simm.s32 $0x4080;
	s26 =	simm.s32 $0x4880  }
0x6: {  	s9 =	simm.s32 $0x80;
	s11 =	simm.s32 $0x5880;
	s12 =	simm.s32 $0x6080  }
0x7: {  	s13 =	simm.s32 $0x6880;
	s14 =	simm.s32 $0x7080;
	s1 =	sand.u32 $0x1, s1  }
0x8: {  	s15 =	simm.s32 $0x7880;
	s2 =	sshll.u32 s0, $0x7;
	s4 =	sshll.u32 s1, $0x6  }
0x9: {  	s16 =	simm.s32 $0x8080;
	s4 =	sor.u32 s4, s2;
	s2 =	simm.s32 $0x0  }
0xa: {  	s17 =	simm.s32 $0x8880;
	s18 =	simm.s32 $0x9080;
	[smem:$0x7FF] =	sst s2  }
0xb: {  	s28 =	simm.s32 $0xD880;
	_ =	strace $0x80000047;
	[dreg:$0x5] =	wrdreg s19  }
0xc: {  	s29 =	simm.s32 $0xE080;
	s30 =	simm.s32 $0xE880;
	[dreg:$0x6] =	wrdreg s20  }
0xd: {  	s31 =	simm.s32 $0xF080;
	s1 =	ssub.s32 $0x2, s1;
	[dreg:$0x7] =	wrdreg s22  }
0xe: {  	s21 =	sshrl.u32 s1, $0x1;
	s5 =	sshrl.u32 s4, $0x3;
	[dreg:$0x8] =	wrdreg s23  }
0xf: {  	s4 =	sshll.u32 s4, $0x7;
	s1 =	ssub.s32 s1, s21;
	[dreg:$0x9] =	wrdreg s7  }
0x10: {  	s21 =	simm.s32 $0xA880;
	s5 =	sadd.s32 s5, s6;
	[dreg:$0xa] =	wrdreg s24  }
0x11: {  	s4 =	sadd.s32 s3, s4;
	s3 =	sadd.s32 $0x2600, s6;
	[dreg:$0xb] =	wrdreg s8  }
0x12: {  	s7 =	smax.u32 s1, $0x1;
	s8 =	simm.s32 $0x1;
	[dreg:$0xc] =	wrdreg s25  }
0x13: {  	[dreg:$0xd] =	wrdreg s26;
	s19 =	simm.s32 $0x9880;
	s20 =	simm.s32 $0xA080  }
0x14: {  	s22 =	simm.s32 $0xB080;
	s23 =	simm.s32 $0xB880;
	s24 =	simm.s32 $0xC080  }
0x15: {  	v2 =	vlaneseq.u32;
	s25 =	simm.s32 $0xC880;
	s26 =	simm.s32 $0xD080;
	s1 =	simm.s32 $0xF880  }
0x16: {  	vm0 =	vmmov $0xffff;
	v1 =	vshrl.u32 v2, $0x3;
	s5 =	sadd.s32 $0x2200, s5;
	[dreg:$0x4] =	wrdreg s4;
	s4 =	sadd.s32 $0x2700, s6  }
0x17: {  	v0 =	vand.u32 $0x7, v2;
	v2 =	vor.u32 $0x8, v2;
	v1 =	vmul.u32 $0x8, v1;
	[dreg:$0x3] =	wrdreg s5;
	s5 =	sadd.s32 $0x2800, s6;
	s6 =	sadd.s32 $0x2900, s6  }
.LBB2_1:
0x18: {  	s0 =	rddreg [dreg:$0x3]  }
0x19: {  	[tilespmem:s2], [sflag:$0x1] =	stream.linear.gather [hbm4b:s0+s2], $0x40, $0x38;
	[tilespmem:$0x10080] =	vst v63  }
0x1a: {  	_ =	swait.ge [sflag:s8], $0x40  }
0x1b: {  	[sflag:s8] =	ssyncset.done $0x0  }
0x1c: {  	s10 =	rddreg [dreg:$0x4];
	[sflag:s8] =	ssyncadd.s32 $0xFFFFFFC0  }
0x1d: {  	[tilespmem:s9], [sflag:$0x1] =	stream.linear.gather [hbm4b:s10+s2], $0x10000, $0x38;
	[tilespmem:$0x10080] =	vst v63  }
0x1e: {  	_ =	swait.ge [sflag:s8], $0x10000  }
0x1f: {  	[sflag:s8] =	ssyncset.done $0x0  }
0x20: {  	[sflag:s8] =	ssyncadd.s32 $0xFFFF0000  }
0x21: {  	v3 =	vld [tilespmem:$0x0];
	_ =	sdelay $0x4  }
0x22: {  	v4 =	vshll.u32 v3, $0x3  }
0x23: {  	v3 =	vand.u32 $0x7, v3;
	v4 =	vand.u32 $0xFFFFFFC0, v4  }
0x24: {  	v3 =	vor.u32 v3, v4  }
0x25: {  	v4 =	vperm.xlane v3, v0;
	_ =	sdelay $0x1  }
0x26: {  	v4 =	vadd.s32 v1, v4;
	_ =	sdelay $0x4  }
0x27: {  	[hbm4b:s3+s2] =	stream.indirect_vreg.scatter [tilespmem:s9], [sflag:$0x1], $0x80, v4, vm0, $0xb8;
	[tilespmem:$0x10080] =	vst v63  }
0x28: {  	s0 =	rddreg [dreg:$0x5];
	v3 =	vperm.xlane v3, v2  }
0x29: {  	[hbm4b:s4+s2] =	stream.indirect_vreg.scatter [tilespmem:s0], [sflag:$0x1], $0x80, v4, vm0, $0xb8;
	[tilespmem:$0x10080] =	vst v63  }
0x2a: {  	s10 =	rddreg [dreg:$0x6];
	v3 =	vadd.s32 v1, v3  }
0x2b: {  	[hbm4b:s5+s2] =	stream.indirect_vreg.scatter [tilespmem:s10], [sflag:$0x1], $0x80, v4, vm0, $0xb8;
	[tilespmem:$0x10080] =	vst v63  }
0x2c: {  	s0 =	rddreg [dreg:$0x7]  }
0x2d: {  	[hbm4b:s6+s2] =	stream.indirect_vreg.scatter [tilespmem:s0], [sflag:$0x1], $0x80, v4, vm0, $0xb8;
	[tilespmem:$0x10080] =	vst v63  }
0x2e: {  	s10 =	rddreg [dreg:$0x8]  }
0x2f: {  	[hbm4b:s3+s2] =	stream.indirect_vreg.scatter [tilespmem:s10], [sflag:$0x1], $0x80, v3, vm0, $0xb8;
	[tilespmem:$0x10080] =	vst v63  }
0x30: {  	s0 =	rddreg [dreg:$0x9]  }
0x31: {  	[hbm4b:s4+s2] =	stream.indirect_vreg.scatter [tilespmem:s0], [sflag:$0x1], $0x80, v3, vm0, $0xb8;
	[tilespmem:$0x10080] =	vst v63  }
0x32: {  	s10 =	rddreg [dreg:$0xa]  }
0x33: {  	[hbm4b:s5+s2] =	stream.indirect_vreg.scatter [tilespmem:s10], [sflag:$0x1], $0x80, v3, vm0, $0xb8;
	[tilespmem:$0x10080] =	vst v63  }
0x34: {  	s0 =	rddreg [dreg:$0xb]  }
0x35: {  	[hbm4b:s6+s2] =	stream.indirect_vreg.scatter [tilespmem:s0], [sflag:$0x1], $0x80, v3, vm0, $0xb8;
	[tilespmem:$0x10080] =	vst v63  }
0x36: {  	v3 =	vld [tilespmem:$0x10];
	_ =	sdelay $0x4  }
0x37: {  	v61 =	vshll.u32 v3, $0x3  }
0x38: {  	v3 =	vand.u32 $0x7, v3;
	v4 =	vand.u32 $0xFFFFFFC0, v61  }
0x39: {  	v3 =	vor.u32 v3, v4  }
0x3a: {  	v4 =	vperm.xlane v3, v0;
	_ =	sdelay $0x1  }
0x3b: {  	v4 =	vadd.s32 v1, v4;
	_ =	sdelay $0x3  }
0x3c: {  	s0 =	rddreg [dreg:$0xc]  }
0x3d: {  	[hbm4b:s3+s2] =	stream.indirect_vreg.scatter [tilespmem:s0], [sflag:$0x1], $0x80, v4, vm0, $0xb8;
	[tilespmem:$0x10080] =	vst v63  }
0x3e: {  	s10 =	rddreg [dreg:$0xd];
	v3 =	vperm.xlane v3, v2  }
0x3f: {  	[hbm4b:s4+s2] =	stream.indirect_vreg.scatter [tilespmem:s10], [sflag:$0x1], $0x80, v4, vm0, $0xb8;
	[tilespmem:$0x10080] =	vst v63  }
0x40: {  	v3 =	vadd.s32 v1, v3;
	s10 =	simm.s32 $0x5080  }
0x41: {  	[hbm4b:s5+s2] =	stream.indirect_vreg.scatter [tilespmem:s10], [sflag:$0x1], $0x80, v4, vm0, $0xb8;
	[tilespmem:$0x10080] =	vst v63  }
0x42: {  	_ = 	snop  }
0x43: {  	[hbm4b:s6+s2] =	stream.indirect_vreg.scatter [tilespmem:s11], [sflag:$0x1], $0x80, v4, vm0, $0xb8;
	[tilespmem:$0x10080] =	vst v63  }
0x44: {  	_ = 	snop  }
0x45: {  	[hbm4b:s3+s2] =	stream.indirect_vreg.scatter [tilespmem:s12], [sflag:$0x1], $0x80, v3, vm0, $0xb8;
	[tilespmem:$0x10080] =	vst v63  }
0x46: {  	_ = 	snop  }
0x47: {  	[hbm4b:s4+s2] =	stream.indirect_vreg.scatter [tilespmem:s13], [sflag:$0x1], $0x80, v3, vm0, $0xb8;
	[tilespmem:$0x10080] =	vst v63  }
0x48: {  	_ = 	snop  }
0x49: {  	[hbm4b:s5+s2] =	stream.indirect_vreg.scatter [tilespmem:s14], [sflag:$0x1], $0x80, v3, vm0, $0xb8;
	[tilespmem:$0x10080] =	vst v63  }
0x4a: {  	_ = 	snop  }
0x4b: {  	[hbm4b:s6+s2] =	stream.indirect_vreg.scatter [tilespmem:s15], [sflag:$0x1], $0x80, v3, vm0, $0xb8;
	[tilespmem:$0x10080] =	vst v63  }
0x4c: {  	v3 =	vld [tilespmem:$0x20];
	_ =	sdelay $0x4  }
0x4d: {  	v62 =	vshll.u32 v3, $0x3  }
0x4e: {  	v3 =	vand.u32 $0x7, v3;
	v4 =	vand.u32 $0xFFFFFFC0, v62  }
0x4f: {  	v3 =	vor.u32 v3, v4  }
0x50: {  	v4 =	vperm.xlane v3, v0;
	_ =	sdelay $0x1  }
0x51: {  	v4 =	vadd.s32 v1, v4;
	_ =	sdelay $0x4  }
0x52: {  	[hbm4b:s3+s2] =	stream.indirect_vreg.scatter [tilespmem:s16], [sflag:$0x1], $0x80, v4, vm0, $0xb8;
	[tilespmem:$0x10080] =	vst v63  }
0x53: {  	v3 =	vperm.xlane v3, v2  }
0x54: {  	[hbm4b:s4+s2] =	stream.indirect_vreg.scatter [tilespmem:s17], [sflag:$0x1], $0x80, v4, vm0, $0xb8;
	[tilespmem:$0x10080] =	vst v63  }
0x55: {  	v3 =	vadd.s32 v1, v3  }
0x56: {  	[hbm4b:s5+s2] =	stream.indirect_vreg.scatter [tilespmem:s18], [sflag:$0x1], $0x80, v4, vm0, $0xb8;
	[tilespmem:$0x10080] =	vst v63  }
0x57: {  	_ = 	snop  }
0x58: {  	[hbm4b:s6+s2] =	stream.indirect_vreg.scatter [tilespmem:s19], [sflag:$0x1], $0x80, v4, vm0, $0xb8;
	[tilespmem:$0x10080] =	vst v63  }
0x59: {  	_ = 	snop  }
0x5a: {  	[hbm4b:s3+s2] =	stream.indirect_vreg.scatter [tilespmem:s20], [sflag:$0x1], $0x80, v3, vm0, $0xb8;
	[tilespmem:$0x10080] =	vst v63  }
0x5b: {  	_ = 	snop  }
0x5c: {  	[hbm4b:s4+s2] =	stream.indirect_vreg.scatter [tilespmem:s21], [sflag:$0x1], $0x80, v3, vm0, $0xb8;
	[tilespmem:$0x10080] =	vst v63  }
0x5d: {  	_ = 	snop  }
0x5e: {  	[hbm4b:s5+s2] =	stream.indirect_vreg.scatter [tilespmem:s22], [sflag:$0x1], $0x80, v3, vm0, $0xb8;
	[tilespmem:$0x10080] =	vst v63  }
0x5f: {  	_ = 	snop  }
0x60: {  	[hbm4b:s6+s2] =	stream.indirect_vreg.scatter [tilespmem:s23], [sflag:$0x1], $0x80, v3, vm0, $0xb8;
	[tilespmem:$0x10080] =	vst v63  }
0x61: {  	v3 =	vld [tilespmem:$0x30];
	_ =	sdelay $0x4  }
0x62: {  	v63 =	vshll.u32 v3, $0x3  }
0x63: {  	v3 =	vand.u32 $0x7, v3;
	v4 =	vand.u32 $0xFFFFFFC0, v63  }
0x64: {  	v3 =	vor.u32 v3, v4  }
0x65: {  	v4 =	vperm.xlane v3, v0;
	_ =	sdelay $0x1  }
0x66: {  	v4 =	vadd.s32 v1, v4;
	_ =	sdelay $0x4  }
0x67: {  	[hbm4b:s3+s2] =	stream.indirect_vreg.scatter [tilespmem:s24], [sflag:$0x1], $0x80, v4, vm0, $0xb8;
	[tilespmem:$0x10080] =	vst v63  }
0x68: {  	v3 =	vperm.xlane v3, v2  }
0x69: {  	[hbm4b:s4+s2] =	stream.indirect_vreg.scatter [tilespmem:s25], [sflag:$0x1], $0x80, v4, vm0, $0xb8;
	[tilespmem:$0x10080] =	vst v63  }
0x6a: {  	v3 =	vadd.s32 v1, v3  }
0x6b: {  	[hbm4b:s5+s2] =	stream.indirect_vreg.scatter [tilespmem:s26], [sflag:$0x1], $0x80, v4, vm0, $0xb8;
	[tilespmem:$0x10080] =	vst v63  }
0x6c: {  	_ = 	snop  }
0x6d: {  	[hbm4b:s6+s2] =	stream.indirect_vreg.scatter [tilespmem:s28], [sflag:$0x1], $0x80, v4, vm0, $0xb8;
	[tilespmem:$0x10080] =	vst v63  }
0x6e: {  	_ = 	snop  }
0x6f: {  	[hbm4b:s3+s2] =	stream.indirect_vreg.scatter [tilespmem:s29], [sflag:$0x1], $0x80, v3, vm0, $0xb8;
	[tilespmem:$0x10080] =	vst v63  }
0x70: {  	_ = 	snop  }
0x71: {  	[hbm4b:s4+s2] =	stream.indirect_vreg.scatter [tilespmem:s30], [sflag:$0x1], $0x80, v3, vm0, $0xb8;
	[tilespmem:$0x10080] =	vst v63  }
0x72: {  	p0 =	sne.s32 s7, $0x1  }
0x73: {  	[hbm4b:s5+s2] =	stream.indirect_vreg.scatter [tilespmem:s31], [sflag:$0x1], $0x80, v3, vm0, $0xb8;
	[tilespmem:$0x10080] =	vst v63  }
.Ltmp0:
0x74: {  	_ = 	snop;
	(pc) =	sbr.rel @p0 .LBB2_1-.Ltmp0, $4  }
0x75: {  	[hbm4b:s6+s2] =	stream.indirect_vreg.scatter [tilespmem:s1], [sflag:$0x1], $0x80, v3, vm0, $0xb8;
	[tilespmem:$0x10080] =	vst v63  }
0x76: {  	_ =	swait.ge [sflag:s8], $0x10000  }
0x77: {  	[sflag:s8] =	ssyncset.done $0x0  }
0x78: {  	s7 =	sadd.s32 $0xFFFFFFFF, s7;
	[sflag:s8] =	ssyncadd.s32 $0xFFFF0000  }
0x79: {  	_ =	sfence.sel $0x180000  }
0x7a: {  	[bflag:$0x0] =	sbarrier.arrive $0xFFFF  }
0x7b: {  	_ =	strace $0x90000047  }
0x7c: {  	s0 =	stileid.u32;
	[bflag:$0x2] =	sbarrier.arrive $0xFFFF  }
0x7d: {  	p0 =	sne.s32 s0, $0x0;
	s0 =	rddreg [dreg:$0x2]  }
0x7e: {  	s0 =	sadd.s32 @!p0 $0x100000, s0  }
0x7f: {  	[sflag:s0] =	ssyncadd.tile.s32 @!p0 $0x1;
	_ =	shalt  }
.Lfunc_end2:
_tile_overlayer_lowered:
.L_overlay_start_2:
0x80: {  	(tag) =	ssettag $0x2  }
0x81: {  	s0 =	rddreg [dreg:$0x0];
	s2 =	stileid.u32  }
0x82: {  	s1 =	rddreg [dreg:$0x1];
	p0 =	sne.s32 s2, $0x0  }
0x83: {  	s3 =	rddreg [dreg:$0x2];
	[bflag:$0x3] =	sbarrier.arrive $0xFFFF;
	s2 =	simm.s32 @!p0 $0x1C01  }
0x84: {  	[timem:s3], [sflag:s2] =	dma.local @!p0 [hbm:s0], s1  }
0x85: {  	s0 =	simm.s32 @!p0 $0x1  }
0x86: {  	_ =	swait.ge @!p0 [sflag:s0], s1  }
0x87: {  	s1 =	ssub.s32 @!p0 $0x0, s1;
	[sflag:s0] =	ssyncset.done @!p0 $0x0  }
0x88: {  	[sflag:s0] =	ssyncadd.s32 @!p0 s1  }
0x89: {  	[bflag:$0x3] =	sbarrier.arrive $0xFFFF  }
0x8a: {  	_ =	shalt  }

</sc_bundles>
